<compile_context>
chip_gen: v7x
topology: tpu7x:2x2x1
jax: 0.10.2.dev20260603
libtpu: 0.0.44.dev20260713+nightly
codegen_flags: <defaults>
</compile_context>

<pallas_src>
import math

import jax
import jax.numpy as jnp
from jax.experimental import pallas as pl

N = 20000
C = 81
CM1 = C - 1
K = 500
NPAD = 20480
NROW = 160
NLANE = 128
KPAD = 512
SCORE_THRESH = 0.05
NMS_THRESH = 0.5
DET_PER_IMG = 100
IMG_W = 1333.0
IMG_H = 800.0
WX, WY, WW, WH = 10.0, 10.0, 5.0, 5.0
BBOX_XFORM_CLIP = math.log(1000.0 / 16.0)


def _softmax_mask_kernel(logits_ref, out_ref):
    x = logits_ref[...]
    m = jnp.max(x, axis=1, keepdims=True)
    e = jnp.exp(x - m)
    s = jnp.sum(e, axis=1, keepdims=True)
    p = e / s
    out_ref[...] = jnp.where(p > SCORE_THRESH, p, -jnp.inf)


def _keys_from_scores(s):
    k = jax.lax.bitcast_convert_type(s, jnp.int32)
    return jnp.where(s > 0.0, k, 0)


CGRP = 10


def _select_thresh_kernel(scores_ref, p_ref):
    keys = _keys_from_scores(scores_ref[...])
    kcnt = jnp.float32(K)

    def body(t, p):
        x = p | (jnp.int32(1) << (29 - t))
        cnt = jnp.sum((keys >= x).astype(jnp.float32), axis=(1, 2),
                      keepdims=True)
        return jnp.where(cnt >= kcnt, x, p)

    p = jax.lax.fori_loop(0, 30, body, jnp.zeros((CGRP, 1, 1), jnp.int32))
    p_ref[...] = jnp.broadcast_to(p, (CGRP, 1, NLANE))


def _select_compact_kernel(scores_ref, p_ref, sout_ref, iout_ref):
    keys = _keys_from_scores(scores_ref[0])
    p = p_ref[0]

    sel_gt = keys > p
    sel_eq = keys == p
    n_gt = jnp.sum(sel_gt.astype(jnp.float32))
    m = jnp.float32(K) - n_gt

    lower128 = (jax.lax.broadcasted_iota(jnp.int32, (NLANE, NLANE), 0)
                < jax.lax.broadcasted_iota(jnp.int32, (NLANE, NLANE), 1)
                ).astype(jnp.bfloat16)
    lower160 = (jax.lax.broadcasted_iota(jnp.int32, (NROW, NROW), 1)
                < jax.lax.broadcasted_iota(jnp.int32, (NROW, NROW), 0)
                ).astype(jnp.bfloat16)

    def excl_prefix(mask):
        mb = mask.astype(jnp.bfloat16)
        pref_l = jax.lax.dot_general(
            mb, lower128, (((1,), (0,)), ((), ())),
            preferred_element_type=jnp.float32)
        tot = jnp.sum(mask.astype(jnp.float32), axis=1, keepdims=True)
        row_pref = jax.lax.dot_general(
            lower160, tot.astype(jnp.bfloat16), (((1,), (0,)), ((), ())),
            preferred_element_type=jnp.float32)
        return pref_l, row_pref, tot

    eq_pl, eq_rp, _ = excl_prefix(sel_eq)
    tie_rank = eq_rp + eq_pl
    sel = sel_gt | (sel_eq & (tie_rank < m))

    pref_l, row_pref, tot = excl_prefix(sel)

    r = jax.lax.broadcasted_iota(jnp.int32, (KPAD, 1), 0).astype(
        jnp.float32)
    r_row = jax.lax.broadcasted_iota(jnp.int32, (1, KPAD), 1).astype(
        jnp.float32)
    gt = ((row_pref <= r_row) &
          (r_row < row_pref + tot)).astype(jnp.bfloat16)

    rp_hi = jnp.floor(row_pref * (1.0 / 256.0))
    rp_lo = row_pref - rp_hi * 256.0
    row_iota = jax.lax.broadcasted_iota(jnp.int32, (NROW, 1), 0).astype(
        jnp.float32)

    b0 = (keys & 255).astype(jnp.bfloat16)
    b1 = ((keys >> 8) & 255).astype(jnp.bfloat16)
    b2 = ((keys >> 16) & 255).astype(jnp.bfloat16)
    b3 = (keys >> 24).astype(jnp.bfloat16)
    d = jnp.concatenate(
        [pref_l.astype(jnp.bfloat16), sel.astype(jnp.bfloat16),
         b0, b1, b2, b3,
         jnp.broadcast_to(rp_hi.astype(jnp.bfloat16), (NROW, NLANE)),
         jnp.broadcast_to(rp_lo.astype(jnp.bfloat16), (NROW, NLANE)),
         jnp.broadcast_to(row_iota.astype(jnp.bfloat16), (NROW, NLANE)),
         ], axis=1)
    gath = jax.lax.dot_general(
        gt, d, (((0,), (0,)), ((), ())),
        preferred_element_type=jnp.float32)

    gp = gath[:, 0:NLANE]
    gs = gath[:, NLANE:2 * NLANE]
    off = r - (gath[:, 6 * NLANE:6 * NLANE + 1] * 256.0
               + gath[:, 7 * NLANE:7 * NLANE + 1])
    row_id = gath[:, 8 * NLANE:8 * NLANE + 1]
    h = ((gp == off) & (gs > 0.5)).astype(jnp.float32)
    lane_iota = jax.lax.broadcasted_iota(jnp.int32, (1, NLANE), 1).astype(
        jnp.float32)
    lane = jnp.sum(h * lane_iota, axis=1, keepdims=True)
    v0 = jnp.sum(h * gath[:, 2 * NLANE:3 * NLANE], axis=1, keepdims=True)
    v1 = jnp.sum(h * gath[:, 3 * NLANE:4 * NLANE], axis=1, keepdims=True)
    v2 = jnp.sum(h * gath[:, 4 * NLANE:5 * NLANE], axis=1, keepdims=True)
    v3 = jnp.sum(h * gath[:, 5 * NLANE:6 * NLANE], axis=1, keepdims=True)

    key = (v3.astype(jnp.int32) * 16777216 + v2.astype(jnp.int32) * 65536
           + v1.astype(jnp.int32) * 256 + v0.astype(jnp.int32))
    score = jnp.where(key > 0,
                      jax.lax.bitcast_convert_type(key, jnp.float32),
                      -jnp.inf)
    gidx = row_id * jnp.float32(NLANE) + lane

    sout_ref[0] = score
    iout_ref[0] = gidx


def _nms_kernel(s_ref, i_ref, rel_ref, prop_ref, sout_ref, box_ref):
    s = s_ref[0]
    ix = i_ref[0]
    r = rel_ref[0]
    p = prop_ref[0]

    w = p[2:3] - p[0:1] + 1.0
    h = p[3:4] - p[1:2] + 1.0
    cx = p[0:1] + 0.5 * w
    cy = p[1:2] + 0.5 * h
    dx = r[0:1] / WX
    dy = r[1:2] / WY
    dw = jnp.minimum(r[2:3] / WW, BBOX_XFORM_CLIP)
    dh = jnp.minimum(r[3:4] / WH, BBOX_XFORM_CLIP)
    pcx = dx * w + cx
    pcy = dy * h + cy
    pw = jnp.exp(dw) * w
    ph = jnp.exp(dh) * h
    x1 = jnp.clip(pcx - 0.5 * pw, 0.0, IMG_W - 1.0)
    y1 = jnp.clip(pcy - 0.5 * ph, 0.0, IMG_H - 1.0)
    x2 = jnp.clip(pcx + 0.5 * pw - 1.0, 0.0, IMG_W - 1.0)
    y2 = jnp.clip(pcy + 0.5 * ph - 1.0, 0.0, IMG_H - 1.0)

    area = (x2 - x1) * (y2 - y1)
    x1t = jnp.reshape(x1, (K, 1))
    y1t = jnp.reshape(y1, (K, 1))
    x2t = jnp.reshape(x2, (K, 1))
    y2t = jnp.reshape(y2, (K, 1))
    areat = jnp.reshape(area, (K, 1))
    xx1 = jnp.maximum(x1t, x1)
    yy1 = jnp.maximum(y1t, y1)
    xx2 = jnp.minimum(x2t, x2)
    yy2 = jnp.minimum(y2t, y2)
    inter = jnp.maximum(xx2 - xx1, 0.0) * jnp.maximum(yy2 - yy1, 0.0)
    union = areat + area - inter
    iou = inter / jnp.maximum(union, 1e-9)

    st = jnp.reshape(s, (K, 1))
    ixt = jnp.reshape(ix, (K, 1))
    pre = (st > s) | ((st == s) & (ixt < ix))
    sup = jnp.where((iou > NMS_THRESH) & pre, 1.0, 0.0)

    validf = jnp.where(s > 0.0, 1.0, 0.0)

    def cond(carry):
        return carry[1]

    def body(carry):
        keep, _ = carry
        suppressed = jax.lax.dot_general(
            keep, sup, (((1,), (0,)), ((), ())),
            preferred_element_type=jnp.float32)
        newk = validf * jnp.where(suppressed > 0.0, 0.0, 1.0)
        return (newk, jnp.any(newk != keep))

    keep, _ = jax.lax.while_loop(cond, body, (validf, jnp.bool_(True)))

    sout_ref[0] = jnp.where(keep > 0.0, s, -jnp.inf)
    box_ref[0] = jnp.concatenate([x1, y1, x2, y2], axis=0)


def kernel(class_logits, box_regression, features, proposal_boxes):
    nblk = 2000
    masked = pl.pallas_call(
        _softmax_mask_kernel,
        grid=(N // nblk,),
        in_specs=[pl.BlockSpec((nblk, C), lambda i: (i, 0))],
        out_specs=pl.BlockSpec((nblk, C), lambda i: (i, 0)),
        out_shape=jax.ShapeDtypeStruct((N, C), jnp.float32),
    )(class_logits)

    cls_scores = masked.T[1:]
    scores3 = jnp.pad(cls_scores, ((0, 0), (0, NPAD - N)),
                      constant_values=-jnp.inf).reshape(CM1, NROW, NLANE)

    pthr = pl.pallas_call(
        _select_thresh_kernel,
        grid=(CM1 // CGRP,),
        in_specs=[pl.BlockSpec((CGRP, NROW, NLANE), lambda i: (i, 0, 0))],
        out_specs=pl.BlockSpec((CGRP, 1, NLANE), lambda i: (i, 0, 0)),
        out_shape=jax.ShapeDtypeStruct((CM1, 1, NLANE), jnp.int32),
    )(scores3)

    top_sp, idxf = pl.pallas_call(
        _select_compact_kernel,
        grid=(CM1,),
        in_specs=[
            pl.BlockSpec((1, NROW, NLANE), lambda c: (c, 0, 0)),
            pl.BlockSpec((1, 1, NLANE), lambda c: (c, 0, 0)),
        ],
        out_specs=[
            pl.BlockSpec((1, KPAD, 1), lambda c: (c, 0, 0)),
            pl.BlockSpec((1, KPAD, 1), lambda c: (c, 0, 0)),
        ],
        out_shape=[
            jax.ShapeDtypeStruct((CM1, KPAD, 1), jnp.float32),
            jax.ShapeDtypeStruct((CM1, KPAD, 1), jnp.float32),
        ],
    )(scores3, pthr)

    top_s = top_sp[:, :K, 0]
    idxf3 = idxf[:, :K, 0][:, None, :]
    idx = idxf[:, :K, 0].astype(jnp.int32)

    rel = box_regression.reshape(N, C, 4)
    cls_ids = jnp.arange(1, C)[:, None]
    rel_t = rel[idx, cls_ids].transpose(0, 2, 1)
    prop_t = proposal_boxes[idx].transpose(0, 2, 1)

    s_out, box_t = pl.pallas_call(
        _nms_kernel,
        grid=(CM1,),
        in_specs=[
            pl.BlockSpec((1, 1, K), lambda c: (c, 0, 0)),
            pl.BlockSpec((1, 1, K), lambda c: (c, 0, 0)),
            pl.BlockSpec((1, 4, K), lambda c: (c, 0, 0)),
            pl.BlockSpec((1, 4, K), lambda c: (c, 0, 0)),
        ],
        out_specs=[
            pl.BlockSpec((1, 1, K), lambda c: (c, 0, 0)),
            pl.BlockSpec((1, 4, K), lambda c: (c, 0, 0)),
        ],
        out_shape=[
            jax.ShapeDtypeStruct((CM1, 1, K), jnp.float32),
            jax.ShapeDtypeStruct((CM1, 4, K), jnp.float32),
        ],
    )(top_s[:, None, :], idxf3, rel_t, prop_t)

    flat_s = s_out.reshape(-1)
    flat_b = box_t.transpose(0, 2, 1).reshape(-1, 4)
    flat_idx = idx.reshape(-1)
    labels = jnp.broadcast_to(jnp.arange(1, C)[:, None], (CM1, K)).reshape(-1)

    top_s2, top_i = jax.lax.top_k(flat_s, DET_PER_IMG)
    final_b = flat_b[top_i]
    final_l = labels[top_i].astype(jnp.float32)
    final_feat = features[flat_idx[top_i]]
    final_s = jnp.where(jnp.isfinite(top_s2), top_s2, 0.0)
    return jnp.concatenate(
        [final_b, final_s[:, None], final_l[:, None], final_feat], axis=1)

# --- scband reference (transcript-rebuilt; emitter-appended) ---
"""Pipeline reference for scband-post-processor-22660247454147 (READ-ONLY COPY).

The authoritative reference and input builder live on the scoring server;
editing this copy changes nothing except your own understanding.
"""

import jax, jax.numpy as jnp
import numpy as np
import math

N = 20000
C = 81
D = 1024
K = 500
SCORE_THRESH = 0.05
NMS_THRESH = 0.5
DET_PER_IMG = 100
IMG_W = 1333.0
IMG_H = 800.0
WX, WY, WW, WH = 10.0, 10.0, 5.0, 5.0
BBOX_XFORM_CLIP = math.log(1000.0 / 16.0)


def decode_boxes(box_regression, ref_boxes):
    TO_REMOVE = 1.0
    widths = ref_boxes[:, 2] - ref_boxes[:, 0] + TO_REMOVE
    heights = ref_boxes[:, 3] - ref_boxes[:, 1] + TO_REMOVE
    ctr_x = ref_boxes[:, 0] + 0.5 * widths
    ctr_y = ref_boxes[:, 1] + 0.5 * heights
    rel = box_regression.reshape(N, C, 4)
    dx = rel[:, :, 0] / WX
    dy = rel[:, :, 1] / WY
    dw = jnp.minimum(rel[:, :, 2] / WW, BBOX_XFORM_CLIP)
    dh = jnp.minimum(rel[:, :, 3] / WH, BBOX_XFORM_CLIP)
    pred_ctr_x = dx * widths[:, None] + ctr_x[:, None]
    pred_ctr_y = dy * heights[:, None] + ctr_y[:, None]
    pred_w = jnp.exp(dw) * widths[:, None]
    pred_h = jnp.exp(dh) * heights[:, None]
    x1 = pred_ctr_x - 0.5 * pred_w
    y1 = pred_ctr_y - 0.5 * pred_h
    x2 = pred_ctr_x + 0.5 * pred_w - 1.0
    y2 = pred_ctr_y + 0.5 * pred_h - 1.0
    return jnp.stack([x1, y1, x2, y2], axis=-1)


def clip_to_image(boxes):
    x1 = jnp.clip(boxes[..., 0], 0.0, IMG_W - 1.0)
    y1 = jnp.clip(boxes[..., 1], 0.0, IMG_H - 1.0)
    x2 = jnp.clip(boxes[..., 2], 0.0, IMG_W - 1.0)
    y2 = jnp.clip(boxes[..., 3], 0.0, IMG_H - 1.0)
    return jnp.stack([x1, y1, x2, y2], axis=-1)


def pairwise_iou(b):
    area = (b[:, 2] - b[:, 0]) * (b[:, 3] - b[:, 1])
    xx1 = jnp.maximum(b[:, None, 0], b[None, :, 0])
    yy1 = jnp.maximum(b[:, None, 1], b[None, :, 1])
    xx2 = jnp.minimum(b[:, None, 2], b[None, :, 2])
    yy2 = jnp.minimum(b[:, None, 3], b[None, :, 3])
    inter = jnp.maximum(xx2 - xx1, 0.0) * jnp.maximum(yy2 - yy1, 0.0)
    union = area[:, None] + area[None, :] - inter
    return inter / jnp.maximum(union, 1e-9)


def nms_one_class(boxes_j, scores_j):
    masked = jnp.where(scores_j > SCORE_THRESH, scores_j, -jnp.inf)
    top_s, idx = jax.lax.top_k(masked, K)
    b = boxes_j[idx]
    iou = pairwise_iou(b)
    valid = jnp.isfinite(top_s)

    def body(i, keep):
        suppress = (iou[i] > NMS_THRESH) & (jnp.arange(K) > i) & keep[i]
        return keep & (~suppress)

    keep = jax.lax.fori_loop(0, K, body, valid)
    out_s = jnp.where(keep, top_s, -jnp.inf)
    return b, out_s, idx


def _forward(class_logits, box_regression, features, proposal_boxes):
    probs = jax.nn.softmax(class_logits, axis=-1)
    dec = clip_to_image(decode_boxes(box_regression, proposal_boxes))
    cls_boxes = jnp.transpose(dec[:, 1:, :], (1, 0, 2))
    cls_scores = jnp.transpose(probs[:, 1:], (1, 0))
    b, s, idx = jax.vmap(nms_one_class)(cls_boxes, cls_scores)
    labels = jnp.broadcast_to(jnp.arange(1, C)[:, None], (C - 1, K))
    flat_s = s.reshape(-1)
    flat_b = b.reshape(-1, 4)
    flat_idx = idx.reshape(-1)
    flat_l = labels.reshape(-1)
    top_s, top_i = jax.lax.top_k(flat_s, DET_PER_IMG)
    final_b = flat_b[top_i]
    final_l = flat_l[top_i].astype(jnp.float32)
    final_feat = features[flat_idx[top_i]]
    final_s = jnp.where(jnp.isfinite(top_s), top_s, 0.0)
    return jnp.concatenate([final_b, final_s[:, None], final_l[:, None], final_feat], axis=1)


def setup_inputs(seed: int = 0):
    key = jax.random.key(seed)
    k1, k2, k3, k4 = jax.random.split(key, 4)
    class_logits = jax.random.normal(k1, (N, C), dtype=jnp.float32)
    box_regression = 0.5 * jax.random.normal(k2, (N, C * 4), dtype=jnp.float32)
    features = jax.random.normal(k3, (N, D), dtype=jnp.float32)
    r = jax.random.uniform(k4, (N, 4), dtype=jnp.float32)
    x1 = r[:, 0] * (IMG_W - 32.0)
    y1 = r[:, 1] * (IMG_H - 32.0)
    w = r[:, 2] * (0.3 * IMG_W) + 16.0
    h = r[:, 3] * (0.3 * IMG_H) + 16.0
    proposal_boxes = jnp.stack([x1, y1, jnp.minimum(x1 + w, IMG_W - 1.0), jnp.minimum(y1 + h, IMG_H - 1.0)], axis=1)
    return {"class_logits": class_logits, "box_regression": box_regression, "features": features, "proposal_boxes": proposal_boxes}


def reference(class_logits, box_regression, features, proposal_boxes):
    return _forward(class_logits, box_regression, features, proposal_boxes)

if __name__ == "__main__":
    import jax
    _d = setup_inputs()
    print(jax.jit(kernel)(*tuple(_d.values())))

</pallas_src>

<mosaic_0001>
module attributes {stable_mosaic.version = 14 : i64} {
  func.func @_softmax_mask_kernel(%arg0: i32, %arg1: memref<2000x81xf32, #tpu.memory_space<vmem>>, %arg2: memref<2000x81xf32, #tpu.memory_space<vmem>>) attributes {dimension_semantics = [#tpu.dimension_semantics<arbitrary>], iteration_bounds = array<i64: 10>, scalar_prefetch = 0 : i64, scratch_operands = 0 : i64, tpu.core_type = #tpu.core_type<tc>, window_params = [{transform_indices = @transform_0, window_bounds = array<i64: 2000, 81>}, {transform_indices = @transform_1, window_bounds = array<i64: 2000, 81>}]} {
    %get3A = arith.constant 0 : index
    %get3A_0 = arith.constant 0 : index
    %get3A_1 = vector.load %arg1[%get3A, %get3A_0] : memref<2000x81xf32, #tpu.memory_space<vmem>>, vector<2000x81xf32>
    %reduce_max3A = arith.constant dense<0xFF800000> : vector<2000xf32>
    %reduce_max3A_2 = vector.multi_reduction <maximumf>, %get3A_1, %reduce_max3A [1] : vector<2000x81xf32> to vector<2000xf32>
    %broadcast_in_dim3A = vector.shape_cast %reduce_max3A_2 : vector<2000xf32> to vector<2000x1xf32>
    %sub3A = vector.broadcast %broadcast_in_dim3A : vector<2000x1xf32> to vector<2000x81xf32>
    %sub3A_3 = arith.subf %get3A_1, %sub3A : vector<2000x81xf32>
    %exp3A = math.exp %sub3A_3 : vector<2000x81xf32>
    %reduce_sum3A = arith.constant dense<0.000000e+00> : vector<2000xf32>
    %reduce_sum3A_4 = vector.multi_reduction <add>, %exp3A, %reduce_sum3A [1] : vector<2000x81xf32> to vector<2000xf32>
    %broadcast_in_dim3A_5 = vector.shape_cast %reduce_sum3A_4 : vector<2000xf32> to vector<2000x1xf32>
    %div3A = vector.broadcast %broadcast_in_dim3A_5 : vector<2000x1xf32> to vector<2000x81xf32>
    %div3A_6 = arith.divf %exp3A, %div3A : vector<2000x81xf32>
    %gt3A = arith.constant 5.000000e-02 : f32
    %gt3A_7 = vector.broadcast %gt3A : f32 to vector<2000x81xf32>
    %gt3A_8 = arith.cmpf ogt, %div3A_6, %gt3A_7 : vector<2000x81xf32>
    %jit3A = arith.constant 0xFF800000 : f32
    %broadcast_in_dim3A_9 = vector.broadcast %jit3A : f32 to vector<2000x81xf32>
    %select_n3A = arith.select %gt3A_8, %div3A_6, %broadcast_in_dim3A_9 : vector<2000x81xi1>, vector<2000x81xf32>
    %swap3A = arith.constant 0 : index
    %swap3A_10 = arith.constant 0 : index
    %swap3A_11 = vector.load %arg2[%swap3A, %swap3A_10] : memref<2000x81xf32, #tpu.memory_space<vmem>>, vector<2000x81xf32>
    tpu.vector_store %arg2[%swap3A, %swap3A_10], %select_n3A {strides = array<i32>} : memref<2000x81xf32, #tpu.memory_space<vmem>>, vector<2000x81xf32>,
    return
  }
  func.func @transform_0(%arg0: i32) -> (i32, i32) {
    %c0_i32 = arith.constant 0 : i32
    %c0_i32_0 = arith.constant 0 : i32
    return %arg0, %c0_i32 : i32, i32
  }
  func.func @transform_1(%arg0: i32) -> (i32, i32) {
    %c0_i32 = arith.constant 0 : i32
    %c0_i32_0 = arith.constant 0 : i32
    return %arg0, %c0_i32 : i32, i32
  }
}

module attributes {stable_mosaic.version = 14 : i64} {
  func.func @_select_thresh_kernel(%arg0: i32, %arg1: memref<10x160x128xf32, #tpu.memory_space<vmem>>, %arg2: memref<10x1x128xi32, #tpu.memory_space<vmem>>) attributes {dimension_semantics = [#tpu.dimension_semantics<arbitrary>], iteration_bounds = array<i64: 8>, scalar_prefetch = 0 : i64, scratch_operands = 0 : i64, tpu.core_type = #tpu.core_type<tc>, window_params = [{transform_indices = @transform_0, window_bounds = array<i64: 10, 160, 128>}, {transform_indices = @transform_1, window_bounds = array<i64: 10, 1, 128>}]} {
    %get3A = arith.constant 0 : index
    %get3A_0 = arith.constant 0 : index
    %get3A_1 = arith.constant 0 : index
    %get3A_2 = vector.load %arg1[%get3A, %get3A_0, %get3A_1] : memref<10x160x128xf32, #tpu.memory_space<vmem>>, vector<10x160x128xf32>
    %bitcast_convert_type3A = tpu.bitcast %get3A_2 : vector<10x160x128xf32> -> vector<10x160x128xi32>
    %gt3A = arith.constant 0.000000e+00 : f32
    %gt3A_3 = vector.broadcast %gt3A : f32 to vector<10x160x128xf32>
    %gt3A_4 = arith.cmpf ogt, %get3A_2, %gt3A_3 : vector<10x160x128xf32>
    %jit3A = arith.constant 0 : i32
    %broadcast_in_dim3A = vector.broadcast %jit3A : i32 to vector<10x160x128xi32>
    %select_n3A = arith.select %gt3A_4, %bitcast_convert_type3A, %broadcast_in_dim3A : vector<10x160x128xi1>, vector<10x160x128xi32>
    %broadcast_in_dim3A_5 = arith.constant 0 : i32
    %broadcast_in_dim3A_6 = vector.broadcast %broadcast_in_dim3A_5 : i32 to vector<10x1x1xi32>
    %scan3A = arith.constant 5.000000e+02 : f32
    %scan3A_7 = arith.constant 0 : i32
    %scan3A_8 = arith.constant 30 : i32
    %scan3A_9 = arith.addi %scan3A_7, %scan3A_8 : i32
    %scan3A_10 = arith.constant 1 : i32
    %scan3A_11 = scf.for %scan3A_18 = %scan3A_7 to %scan3A_9 step %scan3A_10 iter_args(%scan3A_19 = %broadcast_in_dim3A_6) -> (vector<10x1x1xi32>)  : i32 {
      %sub3A = arith.constant 29 : i32
      %sub3A_20 = arith.subi %sub3A, %scan3A_18 : i32
      %shift_left3A = arith.constant 1 : i32
      %shift_left3A_21 = arith.shli %shift_left3A, %sub3A_20 : i32
      %or3A = vector.broadcast %shift_left3A_21 : i32 to vector<10x1x1xi32>
      %or3A_22 = arith.ori %scan3A_19, %or3A : vector<10x1x1xi32>
      %ge3A = vector.broadcast %or3A_22 : vector<10x1x1xi32> to vector<10x160x128xi32>
      %ge3A_23 = arith.cmpi sge, %select_n3A, %ge3A : vector<10x160x128xi32>
      %convert_element_type3A = arith.extui %ge3A_23 : vector<10x160x128xi1> to vector<10x160x128xi32>
      %convert_element_type3A_24 = arith.sitofp %convert_element_type3A : vector<10x160x128xi32> to vector<10x160x128xf32>
      %reduce_sum3A = arith.constant dense<0.000000e+00> : vector<10xf32>
      %reduce_sum3A_25 = vector.multi_reduction <add>, %convert_element_type3A_24, %reduce_sum3A [1, 2] : vector<10x160x128xf32> to vector<10xf32>
      %broadcast_in_dim3A_26 = vector.shape_cast %reduce_sum3A_25 : vector<10xf32> to vector<10x1x1xf32>
      %ge3A_27 = vector.broadcast %scan3A : f32 to vector<10x1x1xf32>
      %ge3A_28 = arith.cmpf oge, %broadcast_in_dim3A_26, %ge3A_27 : vector<10x1x1xf32>
      %select_n3A_29 = arith.select %ge3A_28, %or3A_22, %scan3A_19 : vector<10x1x1xi1>, vector<10x1x1xi32>
      scf.yield %select_n3A_29 : vector<10x1x1xi32>
    }
    %scan3A_12 = arith.constant 30 : i32
    %broadcast_in_dim3A_13 = vector.shape_cast %scan3A_11 : vector<10x1x1xi32> to vector<10x1x1xi32>
    %broadcast_in_dim3A_14 = vector.broadcast %broadcast_in_dim3A_13 : vector<10x1x1xi32> to vector<10x1x128xi32>
    %swap3A = arith.constant 0 : index
    %swap3A_15 = arith.constant 0 : index
    %swap3A_16 = arith.constant 0 : index
    %swap3A_17 = vector.load %arg2[%swap3A, %swap3A_15, %swap3A_16] : memref<10x1x128xi32, #tpu.memory_space<vmem>>, vector<10x1x128xi32>
    tpu.vector_store %arg2[%swap3A, %swap3A_15, %swap3A_16], %broadcast_in_dim3A_14 {strides = array<i32>} : memref<10x1x128xi32, #tpu.memory_space<vmem>>, vector<10x1x128xi32>,
    return
  }
  func.func @transform_0(%arg0: i32) -> (i32, i32, i32) {
    %c0_i32 = arith.constant 0 : i32
    %c0_i32_0 = arith.constant 0 : i32
    %c0_i32_1 = arith.constant 0 : i32
    return %arg0, %c0_i32, %c0_i32_0 : i32, i32, i32
  }
  func.func @transform_1(%arg0: i32) -> (i32, i32, i32) {
    %c0_i32 = arith.constant 0 : i32
    %c0_i32_0 = arith.constant 0 : i32
    %c0_i32_1 = arith.constant 0 : i32
    return %arg0, %c0_i32, %c0_i32_0 : i32, i32, i32
  }
}

module attributes {stable_mosaic.version = 14 : i64} {
  func.func @_select_compact_kernel(%arg0: i32, %arg1: memref<1x160x128xf32, #tpu.memory_space<vmem>>, %arg2: memref<1x1x128xi32, #tpu.memory_space<vmem>>, %arg3: memref<1x512x1xf32, #tpu.memory_space<vmem>>, %arg4: memref<1x512x1xf32, #tpu.memory_space<vmem>>) attributes {dimension_semantics = [#tpu.dimension_semantics<arbitrary>], iteration_bounds = array<i64: 80>, scalar_prefetch = 0 : i64, scratch_operands = 0 : i64, tpu.core_type = #tpu.core_type<tc>, window_params = [{transform_indices = @transform_0, window_bounds = array<i64: 1, 160, 128>}, {transform_indices = @transform_1, window_bounds = array<i64: 1, 1, 128>}, {transform_indices = @transform_2, window_bounds = array<i64: 1, 512, 1>}, {transform_indices = @transform_3, window_bounds = array<i64: 1, 512, 1>}]} {
    %get3A = arith.constant 0 : index
    %get3A_0 = arith.constant 0 : index
    %get3A_1 = arith.constant 0 : index
    %get3A_2 = vector.load %arg1[%get3A, %get3A_0, %get3A_1] : memref<1x160x128xf32, #tpu.memory_space<vmem>>, vector<1x160x128xf32>
    %get3A_3 = vector.shape_cast %get3A_2 : vector<1x160x128xf32> to vector<160x128xf32>
    %bitcast_convert_type3A = tpu.bitcast %get3A_3 : vector<160x128xf32> -> vector<160x128xi32>
    %gt3A = arith.constant 0.000000e+00 : f32
    %gt3A_4 = vector.broadcast %gt3A : f32 to vector<160x128xf32>
    %gt3A_5 = arith.cmpf ogt, %get3A_3, %gt3A_4 : vector<160x128xf32>
    %jit3A = arith.constant 0 : i32
    %broadcast_in_dim3A = vector.broadcast %jit3A : i32 to vector<160x128xi32>
    %select_n3A = arith.select %gt3A_5, %bitcast_convert_type3A, %broadcast_in_dim3A : vector<160x128xi1>, vector<160x128xi32>
    %get3A_6 = arith.constant 0 : index
    %get3A_7 = arith.constant 0 : index
    %get3A_8 = arith.constant 0 : index
    %get3A_9 = vector.load %arg2[%get3A_6, %get3A_7, %get3A_8] : memref<1x1x128xi32, #tpu.memory_space<vmem>>, vector<1x1x128xi32>
    %get3A_10 = vector.shape_cast %get3A_9 : vector<1x1x128xi32> to vector<1x128xi32>
    %gt3A_11 = vector.broadcast %get3A_10 : vector<1x128xi32> to vector<160x128xi32>
    %gt3A_12 = arith.cmpi sgt, %select_n3A, %gt3A_11 : vector<160x128xi32>
    %eq3A = vector.broadcast %get3A_10 : vector<1x128xi32> to vector<160x128xi32>
    %eq3A_13 = arith.cmpi eq, %select_n3A, %eq3A : vector<160x128xi32>
    %convert_element_type3A = arith.extui %gt3A_12 : vector<160x128xi1> to vector<160x128xi32>
    %convert_element_type3A_14 = arith.sitofp %convert_element_type3A : vector<160x128xi32> to vector<160x128xf32>
    %reduce_sum3A = vector.shape_cast %convert_element_type3A_14 : vector<160x128xf32> to vector<1x160x128xf32>
    %reduce_sum3A_15 = arith.constant dense<0.000000e+00> : vector<1xf32>
    %reduce_sum3A_16 = vector.multi_reduction <add>, %reduce_sum3A, %reduce_sum3A_15 [1, 2] : vector<1x160x128xf32> to vector<1xf32>
    %reduce_sum3A_17 = vector.shape_cast %reduce_sum3A_16 : vector<1xf32> to vector<1x1x1xf32>
    %reduce_sum3A_18 = vector.extract %reduce_sum3A_17[0, 0, 0] : f32 from vector<1x1x1xf32>
    %sub3A = arith.constant 5.000000e+02 : f32
    %sub3A_19 = arith.subf %sub3A, %reduce_sum3A_18 : f32
    %iota3A = tpu.iota {dimensions = array<i32: 0>} : vector<128x128xi32>
    %iota3A_20 = tpu.iota {dimensions = array<i32: 1>} : vector<128x128xi32>
    %lt3A = arith.cmpi slt, %iota3A, %iota3A_20 : vector<128x128xi32>
    %convert_element_type3A_21 = arith.extui %lt3A : vector<128x128xi1> to vector<128x128xi32>
    %convert_element_type3A_22 = arith.sitofp %convert_element_type3A_21 : vector<128x128xi32> to vector<128x128xf32>
    %convert_element_type3A_23 = arith.truncf %convert_element_type3A_22 : vector<128x128xf32> to vector<128x128xbf16>
    %iota3A_24 = tpu.iota {dimensions = array<i32: 1>} : vector<160x160xi32>
    %iota3A_25 = tpu.iota {dimensions = array<i32: 0>} : vector<160x160xi32>
    %lt3A_26 = arith.cmpi slt, %iota3A_24, %iota3A_25 : vector<160x160xi32>
    %convert_element_type3A_27 = arith.extui %lt3A_26 : vector<160x160xi1> to vector<160x160xi32>
    %convert_element_type3A_28 = arith.sitofp %convert_element_type3A_27 : vector<160x160xi32> to vector<160x160xf32>
    %convert_element_type3A_29 = arith.truncf %convert_element_type3A_28 : vector<160x160xf32> to vector<160x160xbf16>
    %convert_element_type3A_30 = arith.extui %eq3A_13 : vector<160x128xi1> to vector<160x128xi32>
    %convert_element_type3A_31 = arith.sitofp %convert_element_type3A_30 : vector<160x128xi32> to vector<160x128xf32>
    %convert_element_type3A_32 = arith.truncf %convert_element_type3A_31 : vector<160x128xf32> to vector<160x128xbf16>
    %dot_general3A = arith.constant dense<0.000000e+00> : vector<160x128xf32>
    %dot_general3A_33 = tpu.matmul %convert_element_type3A_32, %convert_element_type3A_23, %dot_general3A {dimension_numbers = #tpu.dot_dimension_numbers<[1], [0], [0], [1], [0, 0, 1, 1], [], []>, transpose_lhs_hint = false} : vector<160x128xbf16>, vector<128x128xbf16>, vector<160x128xf32> -> vector<160x128xf32>
    %convert_element_type3A_34 = arith.extui %eq3A_13 : vector<160x128xi1> to vector<160x128xi32>
    %convert_element_type3A_35 = arith.sitofp %convert_element_type3A_34 : vector<160x128xi32> to vector<160x128xf32>
    %reduce_sum3A_36 = arith.constant dense<0.000000e+00> : vector<160xf32>
    %reduce_sum3A_37 = vector.multi_reduction <add>, %convert_element_type3A_35, %reduce_sum3A_36 [1] : vector<160x128xf32> to vector<160xf32>
    %broadcast_in_dim3A_38 = vector.shape_cast %reduce_sum3A_37 : vector<160xf32> to vector<160x1xf32>
    %convert_element_type3A_39 = arith.truncf %broadcast_in_dim3A_38 : vector<160x1xf32> to vector<160x1xbf16>
    %dot_general3A_40 = arith.constant dense<0.000000e+00> : vector<160x1xf32>
    %dot_general3A_41 = tpu.matmul %convert_element_type3A_29, %convert_element_type3A_39, %dot_general3A_40 {dimension_numbers = #tpu.dot_dimension_numbers<[1], [0], [0], [1], [0, 0, 1, 1], [], []>, transpose_lhs_hint = false} : vector<160x160xbf16>, vector<160x1xbf16>, vector<160x1xf32> -> vector<160x1xf32>
    %add3A = vector.broadcast %dot_general3A_41 : vector<160x1xf32> to vector<160x128xf32>
    %add3A_42 = arith.addf %add3A, %dot_general3A_33 : vector<160x128xf32>
    %lt3A_43 = vector.broadcast %sub3A_19 : f32 to vector<160x128xf32>
    %lt3A_44 = arith.cmpf olt, %add3A_42, %lt3A_43 : vector<160x128xf32>
    %and3A = arith.andi %eq3A_13, %lt3A_44 : vector<160x128xi1>
    %or3A = arith.ori %gt3A_12, %and3A : vector<160x128xi1>
    %convert_element_type3A_45 = arith.extui %or3A : vector<160x128xi1> to vector<160x128xi32>
    %convert_element_type3A_46 = arith.sitofp %convert_element_type3A_45 : vector<160x128xi32> to vector<160x128xf32>
    %convert_element_type3A_47 = arith.truncf %convert_element_type3A_46 : vector<160x128xf32> to vector<160x128xbf16>
    %dot_general3A_48 = arith.constant dense<0.000000e+00> : vector<160x128xf32>
    %dot_general3A_49 = tpu.matmul %convert_element_type3A_47, %convert_element_type3A_23, %dot_general3A_48 {dimension_numbers = #tpu.dot_dimension_numbers<[1], [0], [0], [1], [0, 0, 1, 1], [], []>, transpose_lhs_hint = false} : vector<160x128xbf16>, vector<128x128xbf16>, vector<160x128xf32> -> vector<160x128xf32>
    %convert_element_type3A_50 = arith.extui %or3A : vector<160x128xi1> to vector<160x128xi32>
    %convert_element_type3A_51 = arith.sitofp %convert_element_type3A_50 : vector<160x128xi32> to vector<160x128xf32>
    %reduce_sum3A_52 = arith.constant dense<0.000000e+00> : vector<160xf32>
    %reduce_sum3A_53 = vector.multi_reduction <add>, %convert_element_type3A_51, %reduce_sum3A_52 [1] : vector<160x128xf32> to vector<160xf32>
    %broadcast_in_dim3A_54 = vector.shape_cast %reduce_sum3A_53 : vector<160xf32> to vector<160x1xf32>
    %convert_element_type3A_55 = arith.truncf %broadcast_in_dim3A_54 : vector<160x1xf32> to vector<160x1xbf16>
    %dot_general3A_56 = arith.constant dense<0.000000e+00> : vector<160x1xf32>
    %dot_general3A_57 = tpu.matmul %convert_element_type3A_29, %convert_element_type3A_55, %dot_general3A_56 {dimension_numbers = #tpu.dot_dimension_numbers<[1], [0], [0], [1], [0, 0, 1, 1], [], []>, transpose_lhs_hint = false} : vector<160x160xbf16>, vector<160x1xbf16>, vector<160x1xf32> -> vector<160x1xf32>
    %iota3A_58 = tpu.iota {dimensions = array<i32: 0>} : vector<512x1xi32>
    %convert_element_type3A_59 = arith.sitofp %iota3A_58 : vector<512x1xi32> to vector<512x1xf32>
    %iota3A_60 = tpu.iota {dimensions = array<i32: 1>} : vector<1x512xi32>
    %convert_element_type3A_61 = arith.sitofp %iota3A_60 : vector<1x512xi32> to vector<1x512xf32>
    %le3A = vector.broadcast %dot_general3A_57 : vector<160x1xf32> to vector<160x512xf32>
    %le3A_62 = vector.broadcast %convert_element_type3A_61 : vector<1x512xf32> to vector<160x512xf32>
    %le3A_63 = arith.cmpf ole, %le3A, %le3A_62 : vector<160x512xf32>
    %add3A_64 = arith.addf %dot_general3A_57, %broadcast_in_dim3A_54 : vector<160x1xf32>
    %lt3A_65 = vector.broadcast %convert_element_type3A_61 : vector<1x512xf32> to vector<160x512xf32>
    %lt3A_66 = vector.broadcast %add3A_64 : vector<160x1xf32> to vector<160x512xf32>
    %lt3A_67 = arith.cmpf olt, %lt3A_65, %lt3A_66 : vector<160x512xf32>
    %and3A_68 = arith.andi %le3A_63, %lt3A_67 : vector<160x512xi1>
    %convert_element_type3A_69 = arith.extui %and3A_68 : vector<160x512xi1> to vector<160x512xi32>
    %convert_element_type3A_70 = arith.sitofp %convert_element_type3A_69 : vector<160x512xi32> to vector<160x512xf32>
    %convert_element_type3A_71 = arith.truncf %convert_element_type3A_70 : vector<160x512xf32> to vector<160x512xbf16>
    %mul3A = arith.constant 3.906250e-03 : f32
    %mul3A_72 = vector.broadcast %mul3A : f32 to vector<160x1xf32>
    %mul3A_73 = arith.mulf %dot_general3A_57, %mul3A_72 : vector<160x1xf32>
    %floor3A = math.floor %mul3A_73 : vector<160x1xf32>
    %mul3A_74 = arith.constant 2.560000e+02 : f32
    %mul3A_75 = vector.broadcast %mul3A_74 : f32 to vector<160x1xf32>
    %mul3A_76 = arith.mulf %floor3A, %mul3A_75 : vector<160x1xf32>
    %sub3A_77 = arith.subf %dot_general3A_57, %mul3A_76 : vector<160x1xf32>
    %iota3A_78 = tpu.iota {dimensions = array<i32: 0>} : vector<160x1xi32>
    %convert_element_type3A_79 = arith.sitofp %iota3A_78 : vector<160x1xi32> to vector<160x1xf32>
    %and3A_80 = arith.constant 255 : i32
    %and3A_81 = vector.broadcast %and3A_80 : i32 to vector<160x128xi32>
    %and3A_82 = arith.andi %select_n3A, %and3A_81 : vector<160x128xi32>
    %convert_element_type3A_83 = arith.sitofp %and3A_82 : vector<160x128xi32> to vector<160x128xbf16>
    %shift_right_arithmetic3A = arith.constant 8 : i32
    %shift_right_arithmetic3A_84 = vector.broadcast %shift_right_arithmetic3A : i32 to vector<160x128xi32>
    %shift_right_arithmetic3A_85 = arith.shrsi %select_n3A, %shift_right_arithmetic3A_84 : vector<160x128xi32>
    %and3A_86 = arith.constant 255 : i32
    %and3A_87 = vector.broadcast %and3A_86 : i32 to vector<160x128xi32>
    %and3A_88 = arith.andi %shift_right_arithmetic3A_85, %and3A_87 : vector<160x128xi32>
    %convert_element_type3A_89 = arith.sitofp %and3A_88 : vector<160x128xi32> to vector<160x128xbf16>
    %shift_right_arithmetic3A_90 = arith.constant 16 : i32
    %shift_right_arithmetic3A_91 = vector.broadcast %shift_right_arithmetic3A_90 : i32 to vector<160x128xi32>
    %shift_right_arithmetic3A_92 = arith.shrsi %select_n3A, %shift_right_arithmetic3A_91 : vector<160x128xi32>
    %and3A_93 = arith.constant 255 : i32
    %and3A_94 = vector.broadcast %and3A_93 : i32 to vector<160x128xi32>
    %and3A_95 = arith.andi %shift_right_arithmetic3A_92, %and3A_94 : vector<160x128xi32>
    %convert_element_type3A_96 = arith.sitofp %and3A_95 : vector<160x128xi32> to vector<160x128xbf16>
    %shift_right_arithmetic3A_97 = arith.constant 24 : i32
    %shift_right_arithmetic3A_98 = vector.broadcast %shift_right_arithmetic3A_97 : i32 to vector<160x128xi32>
    %shift_right_arithmetic3A_99 = arith.shrsi %select_n3A, %shift_right_arithmetic3A_98 : vector<160x128xi32>
    %convert_element_type3A_100 = arith.sitofp %shift_right_arithmetic3A_99 : vector<160x128xi32> to vector<160x128xbf16>
    %convert_element_type3A_101 = arith.truncf %dot_general3A_49 : vector<160x128xf32> to vector<160x128xbf16>
    %convert_element_type3A_102 = arith.extui %or3A : vector<160x128xi1> to vector<160x128xi32>
    %convert_element_type3A_103 = arith.sitofp %convert_element_type3A_102 : vector<160x128xi32> to vector<160x128xf32>
    %convert_element_type3A_104 = arith.truncf %convert_element_type3A_103 : vector<160x128xf32> to vector<160x128xbf16>
    %convert_element_type3A_105 = arith.truncf %floor3A : vector<160x1xf32> to vector<160x1xbf16>
    %broadcast_in_dim3A_106 = vector.shape_cast %convert_element_type3A_105 : vector<160x1xbf16> to vector<160x1xbf16>
    %broadcast_in_dim3A_107 = vector.broadcast %broadcast_in_dim3A_106 : vector<160x1xbf16> to vector<160x128xbf16>
    %convert_element_type3A_108 = arith.truncf %sub3A_77 : vector<160x1xf32> to vector<160x1xbf16>
    %broadcast_in_dim3A_109 = vector.shape_cast %convert_element_type3A_108 : vector<160x1xbf16> to vector<160x1xbf16>
    %broadcast_in_dim3A_110 = vector.broadcast %broadcast_in_dim3A_109 : vector<160x1xbf16> to vector<160x128xbf16>
    %convert_element_type3A_111 = arith.truncf %convert_element_type3A_79 : vector<160x1xf32> to vector<160x1xbf16>
    %broadcast_in_dim3A_112 = vector.shape_cast %convert_element_type3A_111 : vector<160x1xbf16> to vector<160x1xbf16>
    %broadcast_in_dim3A_113 = vector.broadcast %broadcast_in_dim3A_112 : vector<160x1xbf16> to vector<160x128xbf16>
    %concatenate3A = tpu.concatenate %convert_element_type3A_101, %convert_element_type3A_104, %convert_element_type3A_83, %convert_element_type3A_89, %convert_element_type3A_96, %convert_element_type3A_100, %broadcast_in_dim3A_107, %broadcast_in_dim3A_110, %broadcast_in_dim3A_113 in 1 : vector<160x128xbf16>, vector<160x128xbf16>, vector<160x128xbf16>, vector<160x128xbf16>, vector<160x128xbf16>, vector<160x128xbf16>, vector<160x128xbf16>, vector<160x128xbf16>, vector<160x128xbf16> -> vector<160x1152xbf16>
    %dot_general3A_114 = arith.constant dense<0.000000e+00> : vector<512x1152xf32>
    %dot_general3A_115 = tpu.matmul %convert_element_type3A_71, %concatenate3A, %dot_general3A_114 {dimension_numbers = #tpu.dot_dimension_numbers<[0], [0], [1], [1], [0, 1, 1, 1], [], []>, transpose_lhs_hint = false} : vector<160x512xbf16>, vector<160x1152xbf16>, vector<512x1152xf32> -> vector<512x1152xf32>
    %slice3A = vector.extract_strided_slice %dot_general3A_115 {offsets = [0, 0], sizes = [512, 128], strides = [1, 1]} : vector<512x1152xf32> to vector<512x128xf32>
    %slice3A_116 = vector.extract_strided_slice %dot_general3A_115 {offsets = [0, 128], sizes = [512, 128], strides = [1, 1]} : vector<512x1152xf32> to vector<512x128xf32>
    %slice3A_117 = vector.extract_strided_slice %dot_general3A_115 {offsets = [0, 768], sizes = [512, 1], strides = [1, 1]} : vector<512x1152xf32> to vector<512x1xf32>
    %mul3A_118 = arith.constant 2.560000e+02 : f32
    %mul3A_119 = vector.broadcast %mul3A_118 : f32 to vector<512x1xf32>
    %mul3A_120 = arith.mulf %slice3A_117, %mul3A_119 : vector<512x1xf32>
    %slice3A_121 = vector.extract_strided_slice %dot_general3A_115 {offsets = [0, 896], sizes = [512, 1], strides = [1, 1]} : vector<512x1152xf32> to vector<512x1xf32>
    %add3A_122 = arith.addf %mul3A_120, %slice3A_121 : vector<512x1xf32>
    %sub3A_123 = arith.subf %convert_element_type3A_59, %add3A_122 : vector<512x1xf32>
    %slice3A_124 = vector.extract_strided_slice %dot_general3A_115 {offsets = [0, 1024], sizes = [512, 1], strides = [1, 1]} : vector<512x1152xf32> to vector<512x1xf32>
    %eq3A_125 = vector.broadcast %sub3A_123 : vector<512x1xf32> to vector<512x128xf32>
    %eq3A_126 = arith.cmpf oeq, %slice3A, %eq3A_125 : vector<512x128xf32>
    %gt3A_127 = arith.constant 5.000000e-01 : f32
    %gt3A_128 = vector.broadcast %gt3A_127 : f32 to vector<512x128xf32>
    %gt3A_129 = arith.cmpf ogt, %slice3A_116, %gt3A_128 : vector<512x128xf32>
    %and3A_130 = arith.andi %eq3A_126, %gt3A_129 : vector<512x128xi1>
    %convert_element_type3A_131 = arith.extui %and3A_130 : vector<512x128xi1> to vector<512x128xi32>
    %convert_element_type3A_132 = arith.sitofp %convert_element_type3A_131 : vector<512x128xi32> to vector<512x128xf32>
    %iota3A_133 = tpu.iota {dimensions = array<i32: 1>} : vector<1x128xi32>
    %convert_element_type3A_134 = arith.sitofp %iota3A_133 : vector<1x128xi32> to vector<1x128xf32>
    %mul3A_135 = vector.broadcast %convert_element_type3A_134 : vector<1x128xf32> to vector<512x128xf32>
    %mul3A_136 = arith.mulf %convert_element_type3A_132, %mul3A_135 : vector<512x128xf32>
    %reduce_sum3A_137 = arith.constant dense<0.000000e+00> : vector<512xf32>
    %reduce_sum3A_138 = vector.multi_reduction <add>, %mul3A_136, %reduce_sum3A_137 [1] : vector<512x128xf32> to vector<512xf32>
    %broadcast_in_dim3A_139 = vector.shape_cast %reduce_sum3A_138 : vector<512xf32> to vector<512x1xf32>
    %slice3A_140 = vector.extract_strided_slice %dot_general3A_115 {offsets = [0, 256], sizes = [512, 128], strides = [1, 1]} : vector<512x1152xf32> to vector<512x128xf32>
    %mul3A_141 = arith.mulf %convert_element_type3A_132, %slice3A_140 : vector<512x128xf32>
    %reduce_sum3A_142 = arith.constant dense<0.000000e+00> : vector<512xf32>
    %reduce_sum3A_143 = vector.multi_reduction <add>, %mul3A_141, %reduce_sum3A_142 [1] : vector<512x128xf32> to vector<512xf32>
    %broadcast_in_dim3A_144 = vector.shape_cast %reduce_sum3A_143 : vector<512xf32> to vector<512x1xf32>
    %slice3A_145 = vector.extract_strided_slice %dot_general3A_115 {offsets = [0, 384], sizes = [512, 128], strides = [1, 1]} : vector<512x1152xf32> to vector<512x128xf32>
    %mul3A_146 = arith.mulf %convert_element_type3A_132, %slice3A_145 : vector<512x128xf32>
    %reduce_sum3A_147 = arith.constant dense<0.000000e+00> : vector<512xf32>
    %reduce_sum3A_148 = vector.multi_reduction <add>, %mul3A_146, %reduce_sum3A_147 [1] : vector<512x128xf32> to vector<512xf32>
    %broadcast_in_dim3A_149 = vector.shape_cast %reduce_sum3A_148 : vector<512xf32> to vector<512x1xf32>
    %slice3A_150 = vector.extract_strided_slice %dot_general3A_115 {offsets = [0, 512], sizes = [512, 128], strides = [1, 1]} : vector<512x1152xf32> to vector<512x128xf32>
    %mul3A_151 = arith.mulf %convert_element_type3A_132, %slice3A_150 : vector<512x128xf32>
    %reduce_sum3A_152 = arith.constant dense<0.000000e+00> : vector<512xf32>
    %reduce_sum3A_153 = vector.multi_reduction <add>, %mul3A_151, %reduce_sum3A_152 [1] : vector<512x128xf32> to vector<512xf32>
    %broadcast_in_dim3A_154 = vector.shape_cast %reduce_sum3A_153 : vector<512xf32> to vector<512x1xf32>
    %slice3A_155 = vector.extract_strided_slice %dot_general3A_115 {offsets = [0, 640], sizes = [512, 128], strides = [1, 1]} : vector<512x1152xf32> to vector<512x128xf32>
    %mul3A_156 = arith.mulf %convert_element_type3A_132, %slice3A_155 : vector<512x128xf32>
    %reduce_sum3A_157 = arith.constant dense<0.000000e+00> : vector<512xf32>
    %reduce_sum3A_158 = vector.multi_reduction <add>, %mul3A_156, %reduce_sum3A_157 [1] : vector<512x128xf32> to vector<512xf32>
    %broadcast_in_dim3A_159 = vector.shape_cast %reduce_sum3A_158 : vector<512xf32> to vector<512x1xf32>
    %convert_element_type3A_160 = arith.fptosi %broadcast_in_dim3A_159 : vector<512x1xf32> to vector<512x1xi32>
    %mul3A_161 = arith.constant 16777216 : i32
    %mul3A_162 = vector.broadcast %mul3A_161 : i32 to vector<512x1xi32>
    %mul3A_163 = arith.muli %convert_element_type3A_160, %mul3A_162 : vector<512x1xi32>
    %convert_element_type3A_164 = arith.fptosi %broadcast_in_dim3A_154 : vector<512x1xf32> to vector<512x1xi32>
    %mul3A_165 = arith.constant 65536 : i32
    %mul3A_166 = vector.broadcast %mul3A_165 : i32 to vector<512x1xi32>
    %mul3A_167 = arith.muli %convert_element_type3A_164, %mul3A_166 : vector<512x1xi32>
    %add3A_168 = arith.addi %mul3A_163, %mul3A_167 : vector<512x1xi32>
    %convert_element_type3A_169 = arith.fptosi %broadcast_in_dim3A_149 : vector<512x1xf32> to vector<512x1xi32>
    %mul3A_170 = arith.constant 256 : i32
    %mul3A_171 = vector.broadcast %mul3A_170 : i32 to vector<512x1xi32>
    %mul3A_172 = arith.muli %convert_element_type3A_169, %mul3A_171 : vector<512x1xi32>
    %add3A_173 = arith.addi %add3A_168, %mul3A_172 : vector<512x1xi32>
    %convert_element_type3A_174 = arith.fptosi %broadcast_in_dim3A_144 : vector<512x1xf32> to vector<512x1xi32>
    %add3A_175 = arith.addi %add3A_173, %convert_element_type3A_174 : vector<512x1xi32>
    %gt3A_176 = arith.constant 0 : i32
    %gt3A_177 = vector.broadcast %gt3A_176 : i32 to vector<512x1xi32>
    %gt3A_178 = arith.cmpi sgt, %add3A_175, %gt3A_177 : vector<512x1xi32>
    %bitcast_convert_type3A_179 = tpu.bitcast %add3A_175 : vector<512x1xi32> -> vector<512x1xf32>
    %jit3A_180 = arith.constant 0xFF800000 : f32
    %broadcast_in_dim3A_181 = vector.broadcast %jit3A_180 : f32 to vector<512x1xf32>
    %select_n3A_182 = arith.select %gt3A_178, %bitcast_convert_type3A_179, %broadcast_in_dim3A_181 : vector<512x1xi1>, vector<512x1xf32>
    %mul3A_183 = arith.constant 1.280000e+02 : f32
    %mul3A_184 = vector.broadcast %mul3A_183 : f32 to vector<512x1xf32>
    %mul3A_185 = arith.mulf %slice3A_124, %mul3A_184 : vector<512x1xf32>
    %add3A_186 = arith.addf %mul3A_185, %broadcast_in_dim3A_139 : vector<512x1xf32>
    %swap3A = arith.constant 0 : index
    %swap3A_187 = arith.constant 0 : index
    %swap3A_188 = arith.constant 0 : index
    %swap3A_189 = vector.load %arg3[%swap3A, %swap3A_187, %swap3A_188] : memref<1x512x1xf32, #tpu.memory_space<vmem>>, vector<1x512x1xf32>
    %swap3A_190 = vector.shape_cast %swap3A_189 : vector<1x512x1xf32> to vector<512x1xf32>
    %swap3A_191 = vector.shape_cast %select_n3A_182 : vector<512x1xf32> to vector<1x512x1xf32>
    tpu.vector_store %arg3[%swap3A, %swap3A_187, %swap3A_188], %swap3A_191 {strides = array<i32>} : memref<1x512x1xf32, #tpu.memory_space<vmem>>, vector<1x512x1xf32>,
    %swap3A_192 = arith.constant 0 : index
    %swap3A_193 = arith.constant 0 : index
    %swap3A_194 = arith.constant 0 : index
    %swap3A_195 = vector.load %arg4[%swap3A_192, %swap3A_193, %swap3A_194] : memref<1x512x1xf32, #tpu.memory_space<vmem>>, vector<1x512x1xf32>
    %swap3A_196 = vector.shape_cast %swap3A_195 : vector<1x512x1xf32> to vector<512x1xf32>
    %swap3A_197 = vector.shape_cast %add3A_186 : vector<512x1xf32> to vector<1x512x1xf32>
    tpu.vector_store %arg4[%swap3A_192, %swap3A_193, %swap3A_194], %swap3A_197 {strides = array<i32>} : memref<1x512x1xf32, #tpu.memory_space<vmem>>, vector<1x512x1xf32>,
    return
  }
  func.func @transform_0(%arg0: i32) -> (i32, i32, i32) {
    %c0_i32 = arith.constant 0 : i32
    %c0_i32_0 = arith.constant 0 : i32
    %c0_i32_1 = arith.constant 0 : i32
    return %arg0, %c0_i32, %c0_i32_0 : i32, i32, i32
  }
  func.func @transform_1(%arg0: i32) -> (i32, i32, i32) {
    %c0_i32 = arith.constant 0 : i32
    %c0_i32_0 = arith.constant 0 : i32
    %c0_i32_1 = arith.constant 0 : i32
    return %arg0, %c0_i32, %c0_i32_0 : i32, i32, i32
  }
  func.func @transform_2(%arg0: i32) -> (i32, i32, i32) {
    %c0_i32 = arith.constant 0 : i32
    %c0_i32_0 = arith.constant 0 : i32
    %c0_i32_1 = arith.constant 0 : i32
    return %arg0, %c0_i32, %c0_i32_0 : i32, i32, i32
  }
  func.func @transform_3(%arg0: i32) -> (i32, i32, i32) {
    %c0_i32 = arith.constant 0 : i32
    %c0_i32_0 = arith.constant 0 : i32
    %c0_i32_1 = arith.constant 0 : i32
    return %arg0, %c0_i32, %c0_i32_0 : i32, i32, i32
  }
}

module attributes {stable_mosaic.version = 14 : i64} {
  func.func @_nms_kernel(%arg0: i32, %arg1: memref<1x1x500xf32, #tpu.memory_space<vmem>>, %arg2: memref<1x1x500xf32, #tpu.memory_space<vmem>>, %arg3: memref<1x4x500xf32, #tpu.memory_space<vmem>>, %arg4: memref<1x4x500xf32, #tpu.memory_space<vmem>>, %arg5: memref<1x1x500xf32, #tpu.memory_space<vmem>>, %arg6: memref<1x4x500xf32, #tpu.memory_space<vmem>>) attributes {dimension_semantics = [#tpu.dimension_semantics<arbitrary>], iteration_bounds = array<i64: 80>, scalar_prefetch = 0 : i64, scratch_operands = 0 : i64, tpu.core_type = #tpu.core_type<tc>, window_params = [{transform_indices = @transform_0, window_bounds = array<i64: 1, 1, 500>}, {transform_indices = @transform_1, window_bounds = array<i64: 1, 1, 500>}, {transform_indices = @transform_2, window_bounds = array<i64: 1, 4, 500>}, {transform_indices = @transform_3, window_bounds = array<i64: 1, 4, 500>}, {transform_indices = @transform_4, window_bounds = array<i64: 1, 1, 500>}, {transform_indices = @transform_5, window_bounds = array<i64: 1, 4, 500>}]} {
    %get3A = arith.constant 0 : index
    %get3A_0 = arith.constant 0 : index
    %get3A_1 = arith.constant 0 : index
    %get3A_2 = vector.load %arg1[%get3A, %get3A_0, %get3A_1] : memref<1x1x500xf32, #tpu.memory_space<vmem>>, vector<1x1x500xf32>
    %get3A_3 = vector.shape_cast %get3A_2 : vector<1x1x500xf32> to vector<1x500xf32>
    %get3A_4 = arith.constant 0 : index
    %get3A_5 = arith.constant 0 : index
    %get3A_6 = arith.constant 0 : index
    %get3A_7 = vector.load %arg2[%get3A_4, %get3A_5, %get3A_6] : memref<1x1x500xf32, #tpu.memory_space<vmem>>, vector<1x1x500xf32>
    %get3A_8 = vector.shape_cast %get3A_7 : vector<1x1x500xf32> to vector<1x500xf32>
    %get3A_9 = arith.constant 0 : index
    %get3A_10 = arith.constant 0 : index
    %get3A_11 = arith.constant 0 : index
    %get3A_12 = vector.load %arg3[%get3A_9, %get3A_10, %get3A_11] : memref<1x4x500xf32, #tpu.memory_space<vmem>>, vector<1x4x500xf32>
    %get3A_13 = vector.shape_cast %get3A_12 : vector<1x4x500xf32> to vector<4x500xf32>
    %get3A_14 = arith.constant 0 : index
    %get3A_15 = arith.constant 0 : index
    %get3A_16 = arith.constant 0 : index
    %get3A_17 = vector.load %arg4[%get3A_14, %get3A_15, %get3A_16] : memref<1x4x500xf32, #tpu.memory_space<vmem>>, vector<1x4x500xf32>
    %get3A_18 = vector.shape_cast %get3A_17 : vector<1x4x500xf32> to vector<4x500xf32>
    %slice3A = vector.extract_strided_slice %get3A_18 {offsets = [2, 0], sizes = [1, 500], strides = [1, 1]} : vector<4x500xf32> to vector<1x500xf32>
    %slice3A_19 = vector.extract_strided_slice %get3A_18 {offsets = [0, 0], sizes = [1, 500], strides = [1, 1]} : vector<4x500xf32> to vector<1x500xf32>
    %sub3A = arith.subf %slice3A, %slice3A_19 : vector<1x500xf32>
    %add3A = arith.constant 1.000000e+00 : f32
    %add3A_20 = vector.broadcast %add3A : f32 to vector<1x500xf32>
    %add3A_21 = arith.addf %sub3A, %add3A_20 : vector<1x500xf32>
    %slice3A_22 = vector.extract_strided_slice %get3A_18 {offsets = [3, 0], sizes = [1, 500], strides = [1, 1]} : vector<4x500xf32> to vector<1x500xf32>
    %slice3A_23 = vector.extract_strided_slice %get3A_18 {offsets = [1, 0], sizes = [1, 500], strides = [1, 1]} : vector<4x500xf32> to vector<1x500xf32>
    %sub3A_24 = arith.subf %slice3A_22, %slice3A_23 : vector<1x500xf32>
    %add3A_25 = arith.constant 1.000000e+00 : f32
    %add3A_26 = vector.broadcast %add3A_25 : f32 to vector<1x500xf32>
    %add3A_27 = arith.addf %sub3A_24, %add3A_26 : vector<1x500xf32>
    %slice3A_28 = vector.extract_strided_slice %get3A_18 {offsets = [0, 0], sizes = [1, 500], strides = [1, 1]} : vector<4x500xf32> to vector<1x500xf32>
    %mul3A = arith.constant 5.000000e-01 : f32
    %mul3A_29 = vector.broadcast %mul3A : f32 to vector<1x500xf32>
    %mul3A_30 = arith.mulf %mul3A_29, %add3A_21 : vector<1x500xf32>
    %add3A_31 = arith.addf %slice3A_28, %mul3A_30 : vector<1x500xf32>
    %slice3A_32 = vector.extract_strided_slice %get3A_18 {offsets = [1, 0], sizes = [1, 500], strides = [1, 1]} : vector<4x500xf32> to vector<1x500xf32>
    %mul3A_33 = arith.constant 5.000000e-01 : f32
    %mul3A_34 = vector.broadcast %mul3A_33 : f32 to vector<1x500xf32>
    %mul3A_35 = arith.mulf %mul3A_34, %add3A_27 : vector<1x500xf32>
    %add3A_36 = arith.addf %slice3A_32, %mul3A_35 : vector<1x500xf32>
    %slice3A_37 = vector.extract_strided_slice %get3A_13 {offsets = [0, 0], sizes = [1, 500], strides = [1, 1]} : vector<4x500xf32> to vector<1x500xf32>
    %div3A = arith.constant 1.000000e+01 : f32
    %div3A_38 = vector.broadcast %div3A : f32 to vector<1x500xf32>
    %div3A_39 = arith.divf %slice3A_37, %div3A_38 : vector<1x500xf32>
    %slice3A_40 = vector.extract_strided_slice %get3A_13 {offsets = [1, 0], sizes = [1, 500], strides = [1, 1]} : vector<4x500xf32> to vector<1x500xf32>
    %div3A_41 = arith.constant 1.000000e+01 : f32
    %div3A_42 = vector.broadcast %div3A_41 : f32 to vector<1x500xf32>
    %div3A_43 = arith.divf %slice3A_40, %div3A_42 : vector<1x500xf32>
    %slice3A_44 = vector.extract_strided_slice %get3A_13 {offsets = [2, 0], sizes = [1, 500], strides = [1, 1]} : vector<4x500xf32> to vector<1x500xf32>
    %div3A_45 = arith.constant 5.000000e+00 : f32
    %div3A_46 = vector.broadcast %div3A_45 : f32 to vector<1x500xf32>
    %div3A_47 = arith.divf %slice3A_44, %div3A_46 : vector<1x500xf32>
    %min3A = arith.constant 4.13516665 : f32
    %min3A_48 = vector.broadcast %min3A : f32 to vector<1x500xf32>
    %min3A_49 = arith.minimumf %div3A_47, %min3A_48 : vector<1x500xf32>
    %slice3A_50 = vector.extract_strided_slice %get3A_13 {offsets = [3, 0], sizes = [1, 500], strides = [1, 1]} : vector<4x500xf32> to vector<1x500xf32>
    %div3A_51 = arith.constant 5.000000e+00 : f32
    %div3A_52 = vector.broadcast %div3A_51 : f32 to vector<1x500xf32>
    %div3A_53 = arith.divf %slice3A_50, %div3A_52 : vector<1x500xf32>
    %min3A_54 = arith.constant 4.13516665 : f32
    %min3A_55 = vector.broadcast %min3A_54 : f32 to vector<1x500xf32>
    %min3A_56 = arith.minimumf %div3A_53, %min3A_55 : vector<1x500xf32>
    %mul3A_57 = arith.mulf %div3A_39, %add3A_21 : vector<1x500xf32>
    %add3A_58 = arith.addf %mul3A_57, %add3A_31 : vector<1x500xf32>
    %mul3A_59 = arith.mulf %div3A_43, %add3A_27 : vector<1x500xf32>
    %add3A_60 = arith.addf %mul3A_59, %add3A_36 : vector<1x500xf32>
    %exp3A = math.exp %min3A_49 : vector<1x500xf32>
    %mul3A_61 = arith.mulf %exp3A, %add3A_21 : vector<1x500xf32>
    %exp3A_62 = math.exp %min3A_56 : vector<1x500xf32>
    %mul3A_63 = arith.mulf %exp3A_62, %add3A_27 : vector<1x500xf32>
    %mul3A_64 = arith.constant 5.000000e-01 : f32
    %mul3A_65 = vector.broadcast %mul3A_64 : f32 to vector<1x500xf32>
    %mul3A_66 = arith.mulf %mul3A_65, %mul3A_61 : vector<1x500xf32>
    %sub3A_67 = arith.subf %add3A_58, %mul3A_66 : vector<1x500xf32>
    %jit3A = arith.constant 0.000000e+00 : f32
    %jit3A_68 = arith.constant 1.332000e+03 : f32
    %max3A = vector.broadcast %jit3A : f32 to vector<1x500xf32>
    %max3A_69 = arith.maximumf %max3A, %sub3A_67 : vector<1x500xf32>
    %min3A_70 = vector.broadcast %jit3A_68 : f32 to vector<1x500xf32>
    %min3A_71 = arith.minimumf %min3A_70, %max3A_69 : vector<1x500xf32>
    %mul3A_72 = arith.constant 5.000000e-01 : f32
    %mul3A_73 = vector.broadcast %mul3A_72 : f32 to vector<1x500xf32>
    %mul3A_74 = arith.mulf %mul3A_73, %mul3A_63 : vector<1x500xf32>
    %sub3A_75 = arith.subf %add3A_60, %mul3A_74 : vector<1x500xf32>
    %jit3A_76 = arith.constant 0.000000e+00 : f32
    %jit3A_77 = arith.constant 7.990000e+02 : f32
    %max3A_78 = vector.broadcast %jit3A_76 : f32 to vector<1x500xf32>
    %max3A_79 = arith.maximumf %max3A_78, %sub3A_75 : vector<1x500xf32>
    %min3A_80 = vector.broadcast %jit3A_77 : f32 to vector<1x500xf32>
    %min3A_81 = arith.minimumf %min3A_80, %max3A_79 : vector<1x500xf32>
    %mul3A_82 = arith.constant 5.000000e-01 : f32
    %mul3A_83 = vector.broadcast %mul3A_82 : f32 to vector<1x500xf32>
    %mul3A_84 = arith.mulf %mul3A_83, %mul3A_61 : vector<1x500xf32>
    %add3A_85 = arith.addf %add3A_58, %mul3A_84 : vector<1x500xf32>
    %sub3A_86 = arith.constant 1.000000e+00 : f32
    %sub3A_87 = vector.broadcast %sub3A_86 : f32 to vector<1x500xf32>
    %sub3A_88 = arith.subf %add3A_85, %sub3A_87 : vector<1x500xf32>
    %jit3A_89 = arith.constant 0.000000e+00 : f32
    %jit3A_90 = arith.constant 1.332000e+03 : f32
    %max3A_91 = vector.broadcast %jit3A_89 : f32 to vector<1x500xf32>
    %max3A_92 = arith.maximumf %max3A_91, %sub3A_88 : vector<1x500xf32>
    %min3A_93 = vector.broadcast %jit3A_90 : f32 to vector<1x500xf32>
    %min3A_94 = arith.minimumf %min3A_93, %max3A_92 : vector<1x500xf32>
    %mul3A_95 = arith.constant 5.000000e-01 : f32
    %mul3A_96 = vector.broadcast %mul3A_95 : f32 to vector<1x500xf32>
    %mul3A_97 = arith.mulf %mul3A_96, %mul3A_63 : vector<1x500xf32>
    %add3A_98 = arith.addf %add3A_60, %mul3A_97 : vector<1x500xf32>
    %sub3A_99 = arith.constant 1.000000e+00 : f32
    %sub3A_100 = vector.broadcast %sub3A_99 : f32 to vector<1x500xf32>
    %sub3A_101 = arith.subf %add3A_98, %sub3A_100 : vector<1x500xf32>
    %jit3A_102 = arith.constant 0.000000e+00 : f32
    %jit3A_103 = arith.constant 7.990000e+02 : f32
    %max3A_104 = vector.broadcast %jit3A_102 : f32 to vector<1x500xf32>
    %max3A_105 = arith.maximumf %max3A_104, %sub3A_101 : vector<1x500xf32>
    %min3A_106 = vector.broadcast %jit3A_103 : f32 to vector<1x500xf32>
    %min3A_107 = arith.minimumf %min3A_106, %max3A_105 : vector<1x500xf32>
    %sub3A_108 = arith.subf %min3A_94, %min3A_71 : vector<1x500xf32>
    %sub3A_109 = arith.subf %min3A_107, %min3A_81 : vector<1x500xf32>
    %mul3A_110 = arith.mulf %sub3A_108, %sub3A_109 : vector<1x500xf32>
    %reshape3A = vector.shape_cast %min3A_71 : vector<1x500xf32> to vector<500x1xf32>
    %reshape3A_111 = vector.shape_cast %min3A_81 : vector<1x500xf32> to vector<500x1xf32>
    %reshape3A_112 = vector.shape_cast %min3A_94 : vector<1x500xf32> to vector<500x1xf32>
    %reshape3A_113 = vector.shape_cast %min3A_107 : vector<1x500xf32> to vector<500x1xf32>
    %reshape3A_114 = vector.shape_cast %mul3A_110 : vector<1x500xf32> to vector<500x1xf32>
    %max3A_115 = vector.broadcast %reshape3A : vector<500x1xf32> to vector<500x500xf32>
    %max3A_116 = vector.broadcast %min3A_71 : vector<1x500xf32> to vector<500x500xf32>
    %max3A_117 = arith.maximumf %max3A_115, %max3A_116 : vector<500x500xf32>
    %max3A_118 = vector.broadcast %reshape3A_111 : vector<500x1xf32> to vector<500x500xf32>
    %max3A_119 = vector.broadcast %min3A_81 : vector<1x500xf32> to vector<500x500xf32>
    %max3A_120 = arith.maximumf %max3A_118, %max3A_119 : vector<500x500xf32>
    %min3A_121 = vector.broadcast %reshape3A_112 : vector<500x1xf32> to vector<500x500xf32>
    %min3A_122 = vector.broadcast %min3A_94 : vector<1x500xf32> to vector<500x500xf32>
    %min3A_123 = arith.minimumf %min3A_121, %min3A_122 : vector<500x500xf32>
    %min3A_124 = vector.broadcast %reshape3A_113 : vector<500x1xf32> to vector<500x500xf32>
    %min3A_125 = vector.broadcast %min3A_107 : vector<1x500xf32> to vector<500x500xf32>
    %min3A_126 = arith.minimumf %min3A_124, %min3A_125 : vector<500x500xf32>
    %sub3A_127 = arith.subf %min3A_123, %max3A_117 : vector<500x500xf32>
    %max3A_128 = arith.constant 0.000000e+00 : f32
    %max3A_129 = vector.broadcast %max3A_128 : f32 to vector<500x500xf32>
    %max3A_130 = arith.maximumf %sub3A_127, %max3A_129 : vector<500x500xf32>
    %sub3A_131 = arith.subf %min3A_126, %max3A_120 : vector<500x500xf32>
    %max3A_132 = arith.constant 0.000000e+00 : f32
    %max3A_133 = vector.broadcast %max3A_132 : f32 to vector<500x500xf32>
    %max3A_134 = arith.maximumf %sub3A_131, %max3A_133 : vector<500x500xf32>
    %mul3A_135 = arith.mulf %max3A_130, %max3A_134 : vector<500x500xf32>
    %add3A_136 = vector.broadcast %reshape3A_114 : vector<500x1xf32> to vector<500x500xf32>
    %add3A_137 = vector.broadcast %mul3A_110 : vector<1x500xf32> to vector<500x500xf32>
    %add3A_138 = arith.addf %add3A_136, %add3A_137 : vector<500x500xf32>
    %sub3A_139 = arith.subf %add3A_138, %mul3A_135 : vector<500x500xf32>
    %max3A_140 = arith.constant 9.99999971E-10 : f32
    %max3A_141 = vector.broadcast %max3A_140 : f32 to vector<500x500xf32>
    %max3A_142 = arith.maximumf %sub3A_139, %max3A_141 : vector<500x500xf32>
    %div3A_143 = arith.divf %mul3A_135, %max3A_142 : vector<500x500xf32>
    %reshape3A_144 = vector.shape_cast %get3A_3 : vector<1x500xf32> to vector<500x1xf32>
    %reshape3A_145 = vector.shape_cast %get3A_8 : vector<1x500xf32> to vector<500x1xf32>
    %gt3A = vector.broadcast %reshape3A_144 : vector<500x1xf32> to vector<500x500xf32>
    %gt3A_146 = vector.broadcast %get3A_3 : vector<1x500xf32> to vector<500x500xf32>
    %gt3A_147 = arith.cmpf ogt, %gt3A, %gt3A_146 : vector<500x500xf32>
    %eq3A = vector.broadcast %reshape3A_144 : vector<500x1xf32> to vector<500x500xf32>
    %eq3A_148 = vector.broadcast %get3A_3 : vector<1x500xf32> to vector<500x500xf32>
    %eq3A_149 = arith.cmpf oeq, %eq3A, %eq3A_148 : vector<500x500xf32>
    %lt3A = vector.broadcast %reshape3A_145 : vector<500x1xf32> to vector<500x500xf32>
    %lt3A_150 = vector.broadcast %get3A_8 : vector<1x500xf32> to vector<500x500xf32>
    %lt3A_151 = arith.cmpf olt, %lt3A, %lt3A_150 : vector<500x500xf32>
    %and3A = arith.andi %eq3A_149, %lt3A_151 : vector<500x500xi1>
    %or3A = arith.ori %gt3A_147, %and3A : vector<500x500xi1>
    %gt3A_152 = arith.constant 5.000000e-01 : f32
    %gt3A_153 = vector.broadcast %gt3A_152 : f32 to vector<500x500xf32>
    %gt3A_154 = arith.cmpf ogt, %div3A_143, %gt3A_153 : vector<500x500xf32>
    %and3A_155 = arith.andi %gt3A_154, %or3A : vector<500x500xi1>
    %jit3A_156 = arith.constant 1.000000e+00 : f32
    %jit3A_157 = arith.constant 0.000000e+00 : f32
    %broadcast_in_dim3A = vector.broadcast %jit3A_156 : f32 to vector<500x500xf32>
    %broadcast_in_dim3A_158 = vector.broadcast %jit3A_157 : f32 to vector<500x500xf32>
    %select_n3A = arith.select %and3A_155, %broadcast_in_dim3A, %broadcast_in_dim3A_158 : vector<500x500xi1>, vector<500x500xf32>
    %gt3A_159 = arith.constant 0.000000e+00 : f32
    %gt3A_160 = vector.broadcast %gt3A_159 : f32 to vector<1x500xf32>
    %gt3A_161 = arith.cmpf ogt, %get3A_3, %gt3A_160 : vector<1x500xf32>
    %jit3A_162 = arith.constant 1.000000e+00 : f32
    %jit3A_163 = arith.constant 0.000000e+00 : f32
    %broadcast_in_dim3A_164 = vector.broadcast %jit3A_162 : f32 to vector<1x500xf32>
    %broadcast_in_dim3A_165 = vector.broadcast %jit3A_163 : f32 to vector<1x500xf32>
    %select_n3A_166 = arith.select %gt3A_161, %broadcast_in_dim3A_164, %broadcast_in_dim3A_165 : vector<1x500xi1>, vector<1x500xf32>
    %while3A = arith.constant true
    %while3A_167:2 = scf.while (%while3A_185 = %select_n3A_166, %while3A_186 = %while3A) : (vector<1x500xf32>, i1) -> (vector<1x500xf32>, i1) {
      scf.condition(%while3A_186) %while3A_185, %while3A_186 : vector<1x500xf32>, i1
    } do {
    ^bb0(%while3A_185: vector<1x500xf32>, %while3A_186: i1):
      %dot_general3A = arith.constant dense<0.000000e+00> : vector<1x500xf32>
      %dot_general3A_187 = tpu.matmul %while3A_185, %select_n3A, %dot_general3A {dimension_numbers = #tpu.dot_dimension_numbers<[1], [0], [0], [1], [0, 0, 1, 1], [], []>, transpose_lhs_hint = false} : vector<1x500xf32>, vector<500x500xf32>, vector<1x500xf32> -> vector<1x500xf32>
      %gt3A_188 = arith.constant 0.000000e+00 : f32
      %gt3A_189 = vector.broadcast %gt3A_188 : f32 to vector<1x500xf32>
      %gt3A_190 = arith.cmpf ogt, %dot_general3A_187, %gt3A_189 : vector<1x500xf32>
      %jit3A_191 = arith.constant 0.000000e+00 : f32
      %jit3A_192 = arith.constant 1.000000e+00 : f32
      %broadcast_in_dim3A_193 = vector.broadcast %jit3A_191 : f32 to vector<1x500xf32>
      %broadcast_in_dim3A_194 = vector.broadcast %jit3A_192 : f32 to vector<1x500xf32>
      %select_n3A_195 = arith.select %gt3A_190, %broadcast_in_dim3A_193, %broadcast_in_dim3A_194 : vector<1x500xi1>, vector<1x500xf32>
      %mul3A_196 = arith.mulf %select_n3A_166, %select_n3A_195 : vector<1x500xf32>
      %ne3A = arith.cmpf one, %mul3A_196, %while3A_185 : vector<1x500xf32>
      %reduce_or3A = arith.constant 1.000000e+00 : f32
      %reduce_or3A_197 = arith.constant 0.000000e+00 : f32
      %reduce_or3A_198 = vector.broadcast %reduce_or3A : f32 to vector<1x500xf32>
      %reduce_or3A_199 = vector.broadcast %reduce_or3A_197 : f32 to vector<1x500xf32>
      %reduce_or3A_200 = arith.select %ne3A, %reduce_or3A_198, %reduce_or3A_199 : vector<1x500xi1>, vector<1x500xf32>
      %reduce_or3A_201 = vector.shape_cast %reduce_or3A_200 : vector<1x500xf32> to vector<1x1x500xf32>
      %reduce_or3A_202 = arith.constant dense<0xFF800000> : vector<1xf32>
      %reduce_or3A_203 = vector.multi_reduction <maximumf>, %reduce_or3A_201, %reduce_or3A_202 [1, 2] : vector<1x1x500xf32> to vector<1xf32>
      %reduce_or3A_204 = vector.shape_cast %reduce_or3A_203 : vector<1xf32> to vector<1x1x1xf32>
      %reduce_or3A_205 = vector.extract %reduce_or3A_204[0, 0, 0] : f32 from vector<1x1x1xf32>
      %reduce_or3A_206 = arith.constant 0.000000e+00 : f32
      %reduce_or3A_207 = arith.cmpf ogt, %reduce_or3A_205, %reduce_or3A_206 : f32
      scf.yield %mul3A_196, %reduce_or3A_207 : vector<1x500xf32>, i1
    }
    %gt3A_168 = arith.constant 0.000000e+00 : f32
    %gt3A_169 = vector.broadcast %gt3A_168 : f32 to vector<1x500xf32>
    %gt3A_170 = arith.cmpf ogt, %while3A_167#0, %gt3A_169 : vector<1x500xf32>
    %jit3A_171 = arith.constant 0xFF800000 : f32
    %broadcast_in_dim3A_172 = vector.broadcast %jit3A_171 : f32 to vector<1x500xf32>
    %select_n3A_173 = arith.select %gt3A_170, %get3A_3, %broadcast_in_dim3A_172 : vector<1x500xi1>, vector<1x500xf32>
    %swap3A = arith.constant 0 : index
    %swap3A_174 = arith.constant 0 : index
    %swap3A_175 = arith.constant 0 : index
    %swap3A_176 = vector.load %arg5[%swap3A, %swap3A_174, %swap3A_175] : memref<1x1x500xf32, #tpu.memory_space<vmem>>, vector<1x1x500xf32>
    %swap3A_177 = vector.shape_cast %swap3A_176 : vector<1x1x500xf32> to vector<1x500xf32>
    %swap3A_178 = vector.shape_cast %select_n3A_173 : vector<1x500xf32> to vector<1x1x500xf32>
    tpu.vector_store %arg5[%swap3A, %swap3A_174, %swap3A_175], %swap3A_178 {strides = array<i32>} : memref<1x1x500xf32, #tpu.memory_space<vmem>>, vector<1x1x500xf32>,
    %concatenate3A = tpu.concatenate %min3A_71, %min3A_81, %min3A_94, %min3A_107 in 0 : vector<1x500xf32>, vector<1x500xf32>, vector<1x500xf32>, vector<1x500xf32> -> vector<4x500xf32>
    %swap3A_179 = arith.constant 0 : index
    %swap3A_180 = arith.constant 0 : index
    %swap3A_181 = arith.constant 0 : index
    %swap3A_182 = vector.load %arg6[%swap3A_179, %swap3A_180, %swap3A_181] : memref<1x4x500xf32, #tpu.memory_space<vmem>>, vector<1x4x500xf32>
    %swap3A_183 = vector.shape_cast %swap3A_182 : vector<1x4x500xf32> to vector<4x500xf32>
    %swap3A_184 = vector.shape_cast %concatenate3A : vector<4x500xf32> to vector<1x4x500xf32>
    tpu.vector_store %arg6[%swap3A_179, %swap3A_180, %swap3A_181], %swap3A_184 {strides = array<i32>} : memref<1x4x500xf32, #tpu.memory_space<vmem>>, vector<1x4x500xf32>,
    return
  }
  func.func @transform_0(%arg0: i32) -> (i32, i32, i32) {
    %c0_i32 = arith.constant 0 : i32
    %c0_i32_0 = arith.constant 0 : i32
    %c0_i32_1 = arith.constant 0 : i32
    return %arg0, %c0_i32, %c0_i32_0 : i32, i32, i32
  }
  func.func @transform_1(%arg0: i32) -> (i32, i32, i32) {
    %c0_i32 = arith.constant 0 : i32
    %c0_i32_0 = arith.constant 0 : i32
    %c0_i32_1 = arith.constant 0 : i32
    return %arg0, %c0_i32, %c0_i32_0 : i32, i32, i32
  }
  func.func @transform_2(%arg0: i32) -> (i32, i32, i32) {
    %c0_i32 = arith.constant 0 : i32
    %c0_i32_0 = arith.constant 0 : i32
    %c0_i32_1 = arith.constant 0 : i32
    return %arg0, %c0_i32, %c0_i32_0 : i32, i32, i32
  }
  func.func @transform_3(%arg0: i32) -> (i32, i32, i32) {
    %c0_i32 = arith.constant 0 : i32
    %c0_i32_0 = arith.constant 0 : i32
    %c0_i32_1 = arith.constant 0 : i32
    return %arg0, %c0_i32, %c0_i32_0 : i32, i32, i32
  }
  func.func @transform_4(%arg0: i32) -> (i32, i32, i32) {
    %c0_i32 = arith.constant 0 : i32
    %c0_i32_0 = arith.constant 0 : i32
    %c0_i32_1 = arith.constant 0 : i32
    return %arg0, %c0_i32, %c0_i32_0 : i32, i32, i32
  }
  func.func @transform_5(%arg0: i32) -> (i32, i32, i32) {
    %c0_i32 = arith.constant 0 : i32
    %c0_i32_0 = arith.constant 0 : i32
    %c0_i32_1 = arith.constant 0 : i32
    return %arg0, %c0_i32, %c0_i32_0 : i32, i32, i32
  }
}

</mosaic_0001>

<sc_bundles>
// kernel: gather_offload_async_start
scs
__scs_entry_jumppad:
0x0: {  	(pc) =	sbr.rel $0x88, $3  }
0x1: {  	(tag) =	ssettag $0x0;
	lr =	simm.s32 $0x1  }
0x2: {  	[smem:$0x3F9D] =	sst lr;
	_ =	strace $0xD0000000  }
0x3: {  	_ = 	snop  }
0x4: {  	_ = 	snop  }
0x5: {  	_ = 	snop  }
0x6: {  	_ = 	snop  }
0x7: {  	_ = 	snop  }
__scs_overlays_trampoline_lowered:
0x8: {  	[smem:$0x3FAC] =	sst s0  }
0x9: {  	[smem:$0x3FAD] =	sst s1  }
0xa: {  	[smem:$0x3FAE] =	sst s2  }
0xb: {  	[smem:$0x3FAF] =	sst s3  }
0xc: {  	[smem:$0x3FB0] =	sst s4  }
0xd: {  	[smem:$0x3FB1] =	sst s5  }
0xe: {  	[smem:$0x3FB2] =	sst s6  }
0xf: {  	[smem:$0x3FB3] =	sst s7  }
0x10: {  	[smem:$0x3FB4] =	sst s8  }
0x11: {  	[smem:$0x3FB5] =	sst s9;
	s0 =	simm.s32 @!p0 $0x0  }
0x12: {  	s1 =	sld [smem:$0x3F9B];
	s0 =	simm.s32 @p0 $0x1  }
0x13: {  	[smem:$0x3FB6] =	sst s0;
	s0 =	simm.s32 @!p1 $0x0  }
0x14: {  	s2 =	sld [smem:$0x3F9A];
	s0 =	simm.s32 @p1 $0x1  }
0x15: {  	[smem:$0x3FB7] =	sst s0;
	s0 =	simm.s32 @!p2 $0x0  }
0x16: {  	s3 =	sld [smem:$0x3FDB];
	s0 =	simm.s32 @p2 $0x1  }
0x17: {  	s4 =	simm.s32 $0x1BF5;
	[smem:$0x3FB9] =	sst s0  }
0x18: {  	s0 =	sld [smem:$0x3F9C];
	_ =	swait.ge [sflag:s4], $0x0  }
0x19: {  	s7 =	sld [smem:$0x3F9D]  }
0x1a: {  	s8 =	sadd.s32 $0xFFFFE003, lr  }
0x1b: {  	s9 =	sadd.s32 $0xFFFFFEF7, lr;
	s5 =	simm.s32 $0xFFFFFFFF;
	p2 =	slt.u32 s8, $0xFFFFF086  }
0x1c: {  	p1 =	slt.u32 s9, $0xF7A;
	s5 =	simm.s32 @!p2 $0x0  }
0x1d: {  	s5 =	simm.s32 @p1 $0x1;
	p0 =	seq.s32 s7, s2  }
0x1e: {  	s7 =	smul.u32 @!p0 $0xF7A, s2;
	p2 =	seq.s32 @!p0 s5, $0x0  }
0x1f: {  	s9 =	smul.u32 $0xF7A, s1;
	s8 =	simm.s32 @!p0 $0x1BF5;
	p2 =	por !p2, p0  }
0x20: {  	[sflag:s8] =	ssyncset.s32 @!p0 $0xFFFFF086;
	s6 =	sadd.s32 @!p0 s3, s7;
	s7 =	simm.s32 @!p0 $0x108  }
0x21: {  	s3 =	sadd.s32 s3, s9;
	s6 =	sadd.s32 @!p0 $0x88, s6;
	s7 =	simm.s32 @p2 $0x1082  }
0x22: {  	[simem:s7], [sflag:s8] =	dma.local @!p0 [hbm:s6], $0xF7A  }
0x23: {  	s9 =	sor.u32 $0xD0000000, s2;
	s6 =	simm.s32 $0x108;
	_ =	swait.ge @!p0 [sflag:s8], $0x0  }
0x24: {  	s3 =	sadd.s32 $0x88, s3;
	s6 =	simm.s32 @!p1 $0x1082;
	[sflag:s4] =	ssyncset.s32 $0xFFFFF086  }
0x25: {  	[simem:s6], [sflag:s4] =	dma.local [hbm:s3], $0xF7A  }
0x26: {  	[smem:$0x3F9D] =	sst s1;
	(tag) =	ssettag s2;
	_ =	strace s9  }
0x27: {  	s1 =	sld [smem:$0x3FAD]  }
0x28: {  	s2 =	sld [smem:$0x3FAE]  }
0x29: {  	s4 =	sld [smem:$0x3FB0]  }
0x2a: {  	p0 =	seq.s32 s5, $0x0;
	s5 =	sld [smem:$0x3FB1]  }
0x2b: {  	s6 =	sld [smem:$0x3FB2]  }
0x2c: {  	s7 =	sld [smem:$0x3FB3]  }
0x2d: {  	s3 =	simm.s32 $0x108;
	s8 =	sld [smem:$0x3FB4]  }
0x2e: {  	s3 =	simm.s32 @!p0 $0x1082;
	s9 =	sld [smem:$0x3FB5]  }
0x2f: {  	lr =	sadd.s32 s0, s3;
	s0 =	sld [smem:$0x3FAC]  }
0x30: {  	s3 =	sld [smem:$0x3FAF]  }
0x31: {  	[smem:$0x3FB8] =	sst s10  }
0x32: {  	s10 =	sld [smem:$0x3FB6];
	_ =	sdelay $0x3  }
0x33: {  	p0 =	seq.s32 s10, $0x1;
	s10 =	sld [smem:$0x3FB8];
	_ =	sdelay $0x3  }
0x34: {  	[smem:$0x3FB8] =	sst s10  }
0x35: {  	s10 =	sld [smem:$0x3FB7];
	_ =	sdelay $0x3  }
0x36: {  	p1 =	seq.s32 s10, $0x1;
	s10 =	sld [smem:$0x3FB8];
	_ =	sdelay $0x3  }
0x37: {  	[smem:$0x3FB8] =	sst s10  }
0x38: {  	s10 =	sld [smem:$0x3FB9]  }
0x39: {  	_ = 	snop;
	(pc) =	sbr.ind lr, $3  }
0x3a: {  	_ = 	snop  }
0x3b: {  	_ = 	snop  }
0x3c: {  	p2 =	seq.s32 s10, $0x1;
	s10 =	sld [smem:$0x3FB8]  }
0x3d: {  	_ =	shalt  }
0x3e: {  	_ =	shalt  }
0x3f: {  	_ =	shalt  }
0x40: {  	_ =	shalt  }
0x41: {  	_ =	shalt  }
0x42: {  	_ =	shalt  }
0x43: {  	_ =	shalt  }
0x44: {  	_ =	shalt  }
0x45: {  	_ =	shalt  }
0x46: {  	_ =	shalt  }
0x47: {  	_ =	shalt  }
0x48: {  	_ =	shalt  }
0x49: {  	_ =	shalt  }
0x4a: {  	_ =	shalt  }
0x4b: {  	_ =	shalt  }
0x4c: {  	_ =	shalt  }
0x4d: {  	_ =	shalt  }
0x4e: {  	_ =	shalt  }
0x4f: {  	_ =	shalt  }
0x50: {  	_ =	shalt  }
0x51: {  	_ =	shalt  }
0x52: {  	_ =	shalt  }
0x53: {  	_ =	shalt  }
0x54: {  	_ =	shalt  }
0x55: {  	_ =	shalt  }
0x56: {  	_ =	shalt  }
0x57: {  	_ =	shalt  }
0x58: {  	_ =	shalt  }
0x59: {  	_ =	shalt  }
0x5a: {  	_ =	shalt  }
0x5b: {  	_ =	shalt  }
0x5c: {  	_ =	shalt  }
0x5d: {  	_ =	shalt  }
0x5e: {  	_ =	shalt  }
0x5f: {  	_ =	shalt  }
0x60: {  	_ =	shalt  }
0x61: {  	_ =	shalt  }
0x62: {  	_ =	shalt  }
0x63: {  	_ =	shalt  }
0x64: {  	_ =	shalt  }
0x65: {  	_ =	shalt  }
0x66: {  	_ =	shalt  }
0x67: {  	_ =	shalt  }
0x68: {  	_ =	shalt  }
0x69: {  	_ =	shalt  }
0x6a: {  	_ =	shalt  }
0x6b: {  	_ =	shalt  }
0x6c: {  	_ =	shalt  }
0x6d: {  	_ =	shalt  }
0x6e: {  	_ =	shalt  }
0x6f: {  	_ =	shalt  }
0x70: {  	_ =	shalt  }
0x71: {  	_ =	shalt  }
0x72: {  	_ =	shalt  }
0x73: {  	_ =	shalt  }
0x74: {  	_ =	shalt  }
0x75: {  	_ =	shalt  }
0x76: {  	_ =	shalt  }
0x77: {  	_ =	shalt  }
0x78: {  	_ =	shalt  }
0x79: {  	_ =	shalt  }
0x7a: {  	_ =	shalt  }
0x7b: {  	_ =	shalt  }
0x7c: {  	_ =	shalt  }
0x7d: {  	_ =	shalt  }
0x7e: {  	_ =	shalt  }
0x7f: {  	_ =	shalt  }
0x80: {  	_ =	shalt  }
0x81: {  	_ =	shalt  }
0x82: {  	_ =	shalt  }
0x83: {  	_ =	shalt  }
0x84: {  	_ =	shalt  }
0x85: {  	_ =	shalt  }
0x86: {  	_ =	shalt  }
0x87: {  	_ =	shalt  }
.Lfunc_end0:
.L_simem_size_0:
called_computation_lowered:
.L_overlay_start_0:
0x88: {  	s2 =	sld [smem:$0x3FD9]  }
0x89: {  	s3 =	sld [smem:$0x3FFE];
	_ =	sdelay $0x1  }
0x8a: {  	s1 =	srdreg.scid  }
0x8b: {  	s0 =	sand.u32 $0x1, s1  }
0x8c: {  	s16 =	sshll.u32 s0, $0xA;
	s2 =	sadd.s32 s3, s2  }
0x8d: {  	s2 =	sadd.s32 s2, s16  }
0x8e: {  	[smem:$0x3FC4] =	sst s2  }
0x8f: {  	_ = 	snop  }
0x90: {  	(tm) =	ssettm $0x1  }
0x91: {  	s17 =	sld [smem:$0x3FFB];
	_ =	sdelay $0x3  }
0x92: {  	_ =	strace s17  }
0x93: {  	s2 =	sld [smem:$0x3FFC];
	_ =	sdelay $0x3  }
0x94: {  	_ =	strace s2  }
0x95: {  	s2 =	sld [smem:$0x3FFD];
	_ =	sdelay $0x3  }
0x96: {  	_ =	strace s2  }
0x97: {  	_ =	strace $0x8FFFFFFF  }
0x98: {  	s18 =	sld [smem:$0x3FDB];
	_ =	sdelay $0x1  }
0x99: {  	s19 =	simm.s32 $_scs_section_size  }
0x9a: {  	s4 =	simm.s32 $_size__tile_overlayer_lowered;
	s5 =	simm.s32 $_tile_overlayer_lowered  }
0x9b: {  	s22 =	simm.s32 $0x1BFF;
	s21 =	sshll.u32 s5, $0x1;
	s2 =	sadd.s32 s19, s18  }
0x9c: {  	s6 =	simm.s32 $0x0;
	s20 =	sshll.u32 s4, $0x1;
	s4 =	sadd.s32 s21, s2  }
0x9d: {  	[timem:s6], [sflag:s22] =	dma.local [hbm:s4], s20  }
0x9e: {  	_ =	swait.ge [sflag:s22], s20  }
0x9f: {  	s3 =	ssub.s32 $0x0, s20;
	[sflag:s22] =	ssyncset.done $0x0  }
0xa0: {  	[sflag:s22] =	ssyncadd.s32 s3;
	_ =	sdelay $0x1  }
0xa1: {  	s23 =	simm.s32 $0x1B8B  }
0xa2: {  	_ =	swait.ge [sflag:s23], $0x1  }
0xa3: {  	[sflag:s23] =	ssyncset.done $0x0  }
0xa4: {  	s25 =	simm.s32 $0x1B8E;
	s24 =	sld [smem:$0x3FFE];
	[sflag:s23] =	ssyncadd.s32 $0xFFFFFFFF  }
0xa5: {  	s26 =	simm.s32 $execute0_lowered;
	[smem:$0x3FD2] =	sst s25  }
0xa6: {  	s4 =	sshll.u32 s26, $0x1;
	_ =	strace $0x80000046;
	[dreg:$0x1] =	wrdreg $0xFFFFFFFF  }
0xa7: {  	s28 =	simm.s32 $_size_execute0_lowered;
	s2 =	sadd.s32 s2, s4;
	[dreg:$0x0] =	wrdreg $0x0  }
0xa8: {  	s4 =	sshll.u32 s28, $0x1;
	[dreg:$0x2] =	wrdreg s2  }
0xa9: {  	[dreg:$0x3] =	wrdreg s4  }
0xaa: {  	[dreg:$0x4] =	wrdreg $0xC0  }
0xab: {  	_ =	task [dreg:s6], $0x5FFFF  }
0xac: {  	[dreg:$0x1] =	wrdreg $0xFFFFFFFF  }
0xad: {  	[dreg:$0x0] =	wrdreg $0x60  }
0xae: {  	[dreg:$0x2] =	wrdreg s24  }
0xaf: {  	[dreg:$0x3] =	wrdreg $0x9  }
0xb0: {  	_ =	task.clear_ibuf [dreg:s6], $0x4FFFF;
	_ =	strace $0x90000046  }
0xb1: {  	s29 =	simm.s32 $0x9;
	_ =	strace $0x80000048  }
0xb2: {  	_ =	swait.ge [sflag:s29], $0x1  }
0xb3: {  	[sflag:s29] =	ssyncadd.s32 $0xFFFFFFFF  }
0xb4: {  	_ =	strace $0x90000048  }
0xb5: {  	_ =	sfence  }
0xb6: {  	s30 =	sld [smem:$0x0];
	_ =	sdelay $0x2  }
0xb7: {  	s31 =	sshll.u32 s1, $0xD;
	s1 =	sshrl.u32 s1, $0x2  }
0xb8: {  	s3 =	sand.u32 $0x4000, s31;
	s1 =	sadd.s32 s1, s30  }
0xb9: {  	s0 =	sor.u32 s3, s0;
	s1 =	sshll.u32 s1, $0x11  }
0xba: {  	s0 =	sor.u32 s1, s0  }
0xbb: {  	s0 =	sadd.s32 $0x8F2B, s0  }
0xbc: {  	[sflag:s0] =	ssyncadd.remote.s32 $0x1  }
0xbd: {  	_ =	sfence.sel $0xFFFF  }
0xbe: {  	[dreg:$0x0] =	wrdreg $0xFFFFFFFF;
	(pc) =	sbr.abs _section_cstart, $3  }
0xbf: {  	[dreg:$0x1] =	wrdreg $0xFFFFFFFF  }
0xc0: {  	_ =	task.clear_ibuf [dreg:s6], $0x2FFFF;
	_ =	strace $0x9FFFFFFF  }
0xc1: {  	(tm) =	ssettm $0x7FFFFFFF  }
tec
execute0_lowered:
.L_overlay_start_1:
0x0: {  	(tag) =	ssettag $0x1  }
0x1: {  	s0 =	srdreg.scid;
	s5 =	rddreg [dreg:$0x0]  }
0x2: {  	s1 =	stileid.u32;
	s6 =	simm.s32 $0x1;
	s9 =	simm.s32 $0x1  }
0x3: {  	s10 =	simm.s32 $0x3;
	s13 =	simm.s32 $0x0;
	s2 =	sshll.u32 s0, $0x7  }
0x4: {  	s12 =	simm.s32 $0x0;
	s3 =	sshll.u32 s1, $0x8;
	s2 =	sand.u32 $0x80, s2  }
0x5: {  	s0 =	rddreg [dreg:$0x1];
	_ =	strace $0x80000047;
	s2 =	sor.u32 s3, s2  }
0x6: {  	s4 =	sadd.s32 $0xCE400, s5;
	[sflag:s6] =	ssyncpa.u1 $0x0;
	s8 =	ssub.s32 $0x9C80, s2  }
.Ltmp0:
0x7: {  	s3 =	sadd.s32 $0x7800, s5;
	s7 =	sand.u32 $0xF80, s8;
	(pc) =	sbr.rel .LBB2_1-.Ltmp0, $4  }
0x8: {  	s5 =	sadd.s32 $0xCF800, s5;
	s11 =	smov.u32 s2;
	p0 =	sne.s32 s7, $0x0  }
0x9: {  	s8 =	sshrl.u32 s8, $0xC;
	s7 =	simm.s32 $0x2;
	s9 =	simm.s32 @!p0 $0x0  }
0xa: {  	[sflag:s7] =	ssyncpa.u1 $0x0;
	p0 =	por $0x0, $0x0;
	s8 =	sadd.s32 s9, s8  }
0xb: {  	vm0 =	vmmov $0xffff;
	v0 =	vlaneseq.u32;
	[sflag:s10] =	ssyncpa.u1 $0x0;
	s10 =	simm.s32 $0x0;
	s9 =	sadd.s32 $0x1, s8  }
.LBB2_4:
0xc: {  	_ =	sdelay $0x3  }
0xd: {  	[tilespmem:s21], [sflag:$0x1] =	stream.indirect_vreg.gather [hbm4b:s3+s10], $0x1, v1, vm0, $0x4038;
	[tilespmem:$0x500] =	vst v63  }
0xe: {  	s15 =	sadd.s32 s17, s15  }
0xf: {  	v1 =	vld.msk [tilespmem:s15+$0x0 ss:$0x1], $0xffff;
	_ =	sdelay $0x4  }
0x10: {  	v2 =	vshrl.u32 v1, $0xF  }
0x11: {  	vm1 =	veq.s32 v1, $0x80000000;
	v1 =	vand.u32 $0x7FFF, v1;
	v2 =	vand.u32 $0x7F, v2  }
0x12: {  	p1 =	sgt.s32 s18, $0x0;
	v1 =	vsel vm1, $0xFFFFFFFF, v1;
	v2 =	vmul.u32 $0x13A00, v2  }
0x13: {  	s18 =	simm.s32 @!p1 $0x0;
	v3 =	vshll.u32 v1, $0x2  }
0x14: {  	s26 =	smin.u32 s18, $0x10;
	v3 =	vand.u32 $0xFFFFFE00, v3;
	v2 =	vsel vm1, $0xFFFEC600, v2  }
0x15: {  	v1 =	vand.u32 $0x7F, v1;
	v2 =	vadd.s32 v3, v2;
	v3 =	vmov s26  }
0x16: {  	v1 =	vor.u32 v1, v2;
	vm1 =	vgt.u32 v3, v0  }
0x17: {  	v2 =	vnsel vm1, $0x7FFFFFFF, v1;
	_ =	sdelay $0x1  }
0x18: {  	v3 =	vor.u32 $0x80, v1  }
0x19: {  	(ifvalue) =	ssetifvalue $0x7FFFFFFF;
	v3 =	vnsel vm1, $0x7FFFFFFF, v3  }
0x1a: {  	s28 =	sadd.s32 s17, s16;
	(ifvalue) =	ssetifvalue $0x7FFFFFFF  }
0x1b: {  	v4 =	vor.u32 $0x100, v1;
	[tilespmem:s28], [sflag:$0x1] =	stream.indirect_vreg.gather [hbm4b:s3+s10], $0x1, v2, vm0, $0x4038;
	[tilespmem:$0x500] =	vst v63  }
0x1c: {  	(ifvalue) =	ssetifvalue $0x7FFFFFFF;
	v2 =	vnsel vm1, $0x7FFFFFFF, v4  }
0x1d: {  	s16 =	sadd.s32 $0x80, s28;
	(ifvalue) =	ssetifvalue $0x7FFFFFFF  }
0x1e: {  	v1 =	vor.u32 $0x180, v1;
	[tilespmem:s16], [sflag:$0x1] =	stream.indirect_vreg.gather [hbm4b:s3+s10], $0x1, v3, vm0, $0x4038;
	[tilespmem:$0x500] =	vst v63  }
0x1f: {  	v1 =	vnsel vm1, $0x7FFFFFFF, v1;
	(ifvalue) =	ssetifvalue $0x7FFFFFFF  }
0x20: {  	s29 =	sadd.s32 $0x100, s28;
	(ifvalue) =	ssetifvalue $0x7FFFFFFF  }
0x21: {  	[tilespmem:s29], [sflag:$0x1] =	stream.indirect_vreg.gather [hbm4b:s3+s10], $0x1, v2, vm0, $0x4038;
	[tilespmem:$0x500] =	vst v63  }
0x22: {  	(ifvalue) =	ssetifvalue $0x7FFFFFFF  }
0x23: {  	s30 =	sshll.u32 s13, $0x2;
	s15 =	sadd.s32 $0x180, s28;
	(ifvalue) =	ssetifvalue $0x7FFFFFFF  }
0x24: {  	[tilespmem:s15], [sflag:$0x1] =	stream.indirect_vreg.gather [hbm4b:s3+s10], $0x1, v1, vm0, $0x4038;
	[tilespmem:$0x500] =	vst v63  }
0x25: {  	s31 =	sand.u32 $0x78, s13;
	s15 =	sand.u32 $0xFFFFFE00, s30  }
0x26: {  	_ =	swait.ge [sflag:s6], $0x200;
	s13 =	sor.u32 s31, s15  }
0x27: {  	[sflag:s6] =	ssyncset.done $0x0;
	s13 =	sshrl.u32 s13, $0x3  }
0x28: {  	[sflag:s6] =	ssyncadd.s32 $0xFFFFFE00;
	s13 =	sadd.s32 s5, s13  }
0x29: {  	[hbm:s13] =	stream.linear.scatter [tilespmem:s14], [sflag:$0x3], $0x200, $0x38;
	[tilespmem:$0x500] =	vst v63  }
.LBB2_5:
0x2a: {  	s15 =	sadd.s32 $0x1000, s11  }
0x2b: {  	p2 =	sgt.s32 s15, $0x9C7F  }
0x2c: {  	s15 =	smov.u32 @p2 s2;
	p2 =	sne.s32 s12, s9  }
.Ltmp1:
0x2d: {  	p1 =	slt.u32 s12, $0x2;
	(pc) =	sbr.rel @!p2 .LBB2_6-.Ltmp1, $4  }
0x2e: {  	s14 =	simm.s32 @!p1 $0x3  }
0x2f: {  	s16 =	sadd.s32 $0x1, s12;
	_ =	swait.ge @!p1 [sflag:s14], $0x200  }
0x30: {  	s13 =	smov.u32 s11;
	p0 =	por !p0, !p0;
	[sflag:s14] =	ssyncset.done @!p1 $0x0  }
0x31: {  	s12 =	smov.u32 s16;
	s11 =	smov.u32 s15;
	[sflag:s14] =	ssyncadd.s32 @!p1 $0xFFFFFE00  }
.LBB2_1:
0x32: {  	p1 =	sge.u32 s12, s8  }
0x33: {  	s14 =	sxor.u32 @!p1 $0xFFFFFFFF, s12  }
0x34: {  	s31 =	sadd.s32 $0xFFFFFFFF, s12;
	s15 =	sshrl.u32 @!p1 s11, $0x3;
	s14 =	sshll.u32 @!p1 s14, $0x7  }
0x35: {  	s16 =	sand.u32 @!p1 $0x7, s11;
	s15 =	sadd.s32 @!p1 s4, s15;
	s14 =	sand.u32 @!p1 $0x80, s14  }
0x36: {  	[tilespmem:s14], [sflag:$0x2] =	stream.linear.gather @!p1 [hbm4b:s15+s16], $0x80, $0x38;
	[tilespmem:$0x500] =	vst v63  }
0x37: {  	p1 =	sge.u32 s31, s8  }
.Ltmp2:
0x38: {  	_ = 	snop;
	(pc) =	sbr.rel @p1 .LBB2_5-.Ltmp2, $1  }
0x39: {  	_ =	sdelay $0x3  }
0x3a: {  	s14 =	simm.s32 $0x1  }
0x3b: {  	_ =	swait.ge [sflag:s7], $0x80;
	s14 =	simm.s32 @!p0 $0x0  }
0x3c: {  	[sflag:s7] =	ssyncset.done $0x0;
	s15 =	sshll.u32 s14, $0x7  }
0x3d: {  	[sflag:s7] =	ssyncadd.s32 $0xFFFFFF80;
	s16 =	sadd.s32 $0x0, s15  }
0x3e: {  	v1 =	vld.msk [tilespmem:s16+$0x0 ss:$0x1], $0xffff;
	_ =	sdelay $0x3  }
0x3f: {  	s18 =	ssub.s32 $0x9C40, s13  }
0x40: {  	p1 =	slt.s32 s18, $0x80;
	v2 =	vshrl.u32 v1, $0xF  }
0x41: {  	s18 =	simm.s32 @!p1 $0x80;
	vm1 =	veq.s32 v1, $0x80000000;
	v1 =	vand.u32 $0x7FFF, v1;
	v2 =	vand.u32 $0x7F, v2  }
0x42: {  	p1 =	sgt.s32 s18, $0x0;
	s16 =	smov.u32 s18;
	v1 =	vsel vm1, $0xFFFFFFFF, v1;
	v2 =	vmul.u32 $0x13A00, v2  }
0x43: {  	s16 =	simm.s32 @!p1 $0x0;
	v3 =	vshll.u32 v1, $0x2  }
0x44: {  	s16 =	smin.u32 s16, $0x10;
	v3 =	vand.u32 $0xFFFFFE00, v3;
	v2 =	vsel vm1, $0xFFFEC600, v2  }
0x45: {  	v1 =	vand.u32 $0x7F, v1;
	v2 =	vadd.s32 v3, v2;
	v3 =	vmov s16  }
0x46: {  	v1 =	vor.u32 v1, v2;
	vm1 =	vgt.u32 v3, v0  }
0x47: {  	v2 =	vnsel vm1, $0x7FFFFFFF, v1;
	_ =	sdelay $0x1  }
0x48: {  	s14 =	sshll.u32 s14, $0x9;
	v3 =	vor.u32 $0x80, v1  }
0x49: {  	(ifvalue) =	ssetifvalue $0x7FFFFFFF;
	s16 =	sor.u32 $0x100, s14;
	v3 =	vnsel vm1, $0x7FFFFFFF, v3  }
0x4a: {  	(ifvalue) =	ssetifvalue $0x7FFFFFFF;
	s19 =	sadd.s32 $0x0, s16  }
0x4b: {  	v4 =	vor.u32 $0x100, v1;
	[tilespmem:s19], [sflag:$0x1] =	stream.indirect_vreg.gather [hbm4b:s3+s10], $0x1, v2, vm0, $0x4038;
	[tilespmem:$0x500] =	vst v63  }
0x4c: {  	(ifvalue) =	ssetifvalue $0x7FFFFFFF;
	v2 =	vnsel vm1, $0x7FFFFFFF, v4  }
0x4d: {  	s17 =	sadd.s32 $0x80, s19;
	(ifvalue) =	ssetifvalue $0x7FFFFFFF  }
0x4e: {  	v1 =	vor.u32 $0x180, v1;
	[tilespmem:s17], [sflag:$0x1] =	stream.indirect_vreg.gather [hbm4b:s3+s10], $0x1, v3, vm0, $0x4038;
	[tilespmem:$0x500] =	vst v63  }
0x4f: {  	s30 =	sshll.u32 s12, $0x9;
	s20 =	simm.s32 $0x80;
	v1 =	vnsel vm1, $0x7FFFFFFF, v1;
	(ifvalue) =	ssetifvalue $0x7FFFFFFF  }
0x50: {  	s14 =	sand.u32 $0x200, s30;
	s31 =	sadd.s32 $0x100, s19;
	(ifvalue) =	ssetifvalue $0x7FFFFFFF  }
0x51: {  	[tilespmem:s31], [sflag:$0x1] =	stream.indirect_vreg.gather [hbm4b:s3+s10], $0x1, v2, vm0, $0x4038;
	[tilespmem:$0x500] =	vst v63  }
0x52: {  	s18 =	sadd.s32 $0xFFFFFFF0, s18;
	s14 =	sor.u32 $0x100, s14;
	(ifvalue) =	ssetifvalue $0x7FFFFFFF  }
0x53: {  	s21 =	sadd.s32 $0x180, s19;
	s17 =	simm.s32 $0x10;
	(ifvalue) =	ssetifvalue $0x7FFFFFFF  }
.LBB2_3:
0x54: {  	[tilespmem:s21], [sflag:$0x1] =	stream.indirect_vreg.gather [hbm4b:s3+s10], $0x1, v1, vm0, $0x4038;
	[tilespmem:$0x500] =	vst v63  }
0x55: {  	s19 =	smov.u32 s20  }
0x56: {  	s22 =	sadd.s32 s17, s15;
	s21 =	sshra.s32 s19, $0x2;
	s19 =	sadd.s32 $0x40, s20  }
0x57: {  	p1 =	sne.s32 s20, $0x1C0;
	v1 =	vld.msk [tilespmem:s22+$0x0 ss:$0x1], $0xffff  }
0x58: {  	(ifvalue) =	ssetifvalue $0x7FFFFFFF;
	_ =	sdelay $0x4  }
0x59: {  	v2 =	vshrl.u32 v1, $0xF  }
0x5a: {  	vm1 =	veq.s32 v1, $0x80000000;
	v1 =	vand.u32 $0x7FFF, v1;
	v2 =	vand.u32 $0x7F, v2  }
0x5b: {  	p2 =	sgt.s32 s18, $0x0;
	s20 =	smov.u32 s18;
	v1 =	vsel vm1, $0xFFFFFFFF, v1;
	v2 =	vmul.u32 $0x13A00, v2  }
0x5c: {  	s20 =	simm.s32 @!p2 $0x0;
	v3 =	vshll.u32 v1, $0x2  }
0x5d: {  	s20 =	smin.u32 s20, $0x10;
	v3 =	vand.u32 $0xFFFFFE00, v3;
	v2 =	vsel vm1, $0xFFFEC600, v2  }
0x5e: {  	v1 =	vand.u32 $0x7F, v1;
	v2 =	vadd.s32 v3, v2;
	v3 =	vmov s20  }
0x5f: {  	v1 =	vor.u32 v1, v2;
	vm1 =	vgt.u32 v3, v0  }
0x60: {  	v2 =	vnsel vm1, $0x7FFFFFFF, v1;
	v3 =	vor.u32 $0x80, v1;
	v4 =	vor.u32 $0x100, v1  }
0x61: {  	v1 =	vor.u32 $0x180, v1;
	_ =	sdelay $0x1  }
0x62: {  	v3 =	vnsel vm1, $0x7FFFFFFF, v3  }
0x63: {  	s20 =	sadd.s32 s17, s16;
	s17 =	smov.u32 s21;
	(ifvalue) =	ssetifvalue $0x7FFFFFFF  }
0x64: {  	[tilespmem:s20], [sflag:$0x1] =	stream.indirect_vreg.gather [hbm4b:s3+s10], $0x1, v2, vm0, $0x4038;
	[tilespmem:$0x500] =	vst v63  }
0x65: {  	v2 =	vnsel vm1, $0x7FFFFFFF, v4;
	(ifvalue) =	ssetifvalue $0x7FFFFFFF  }
0x66: {  	s21 =	sadd.s32 $0x80, s20;
	(ifvalue) =	ssetifvalue $0x7FFFFFFF  }
0x67: {  	[tilespmem:s21], [sflag:$0x1] =	stream.indirect_vreg.gather [hbm4b:s3+s10], $0x1, v3, vm0, $0x4038;
	[tilespmem:$0x500] =	vst v63  }
.Ltmp3:
0x68: {  	v1 =	vnsel vm1, $0x7FFFFFFF, v1;
	(ifvalue) =	ssetifvalue $0x7FFFFFFF;
	(pc) =	sbr.rel @p1 .LBB2_3-.Ltmp3, $4  }
0x69: {  	s21 =	sadd.s32 $0x100, s20;
	(ifvalue) =	ssetifvalue $0x7FFFFFFF  }
0x6a: {  	[tilespmem:s21], [sflag:$0x1] =	stream.indirect_vreg.gather [hbm4b:s3+s10], $0x1, v2, vm0, $0x4038;
	[tilespmem:$0x500] =	vst v63  }
0x6b: {  	s18 =	sadd.s32 $0xFFFFFFF0, s18;
	(ifvalue) =	ssetifvalue $0x7FFFFFFF  }
0x6c: {  	s21 =	sadd.s32 $0x180, s20;
	s20 =	smov.u32 s19;
	(ifvalue) =	ssetifvalue $0x7FFFFFFF  }
.Ltmp4:
0x6d: {  	_ = 	snop;
	(pc) =	sbr.rel .LBB2_4-.Ltmp4, $1  }
0x6e: {  	_ =	sdelay $0x3  }
.LBB2_6:
0x6f: {  	_ =	sfence.sel $0x180000  }
0x70: {  	s2 =	simm.s32 $0x2;
	[bflag:$0x0] =	sbarrier.arrive $0xFFFF  }
0x71: {  	s30 =	simm.s32 $0x3;
	[sflag:s2] =	ssyncpa.u1 $0x1  }
0x72: {  	s31 =	simm.s32 $0x1;
	[sflag:s30] =	ssyncpa.u1 $0x1  }
0x73: {  	[sflag:s31] =	ssyncpa.u1 $0x1  }
0x74: {  	p0 =	sne.s32 s1, $0x0;
	_ =	strace $0x90000047  }
0x75: {  	s0 =	sadd.s32 @!p0 $0x100000, s0;
	[bflag:$0x2] =	sbarrier.arrive $0xFFFF  }
0x76: {  	[sflag:s0] =	ssyncadd.tile.s32 @!p0 $0x1;
	_ =	shalt  }
.Lfunc_end2:
_tile_overlayer_lowered:
.L_overlay_start_2:
0x77: {  	(tag) =	ssettag $0x2  }
0x78: {  	s0 =	rddreg [dreg:$0x0];
	s2 =	stileid.u32  }
0x79: {  	s1 =	rddreg [dreg:$0x1];
	p0 =	sne.s32 s2, $0x0  }
0x7a: {  	s3 =	rddreg [dreg:$0x2];
	[bflag:$0x3] =	sbarrier.arrive $0xFFFF;
	s2 =	simm.s32 @!p0 $0x1C01  }
0x7b: {  	[timem:s3], [sflag:s2] =	dma.local @!p0 [hbm:s0], s1  }
0x7c: {  	s0 =	simm.s32 @!p0 $0x1  }
0x7d: {  	_ =	swait.ge @!p0 [sflag:s0], s1  }
0x7e: {  	s1 =	ssub.s32 @!p0 $0x0, s1;
	[sflag:s0] =	ssyncset.done @!p0 $0x0  }
0x7f: {  	[sflag:s0] =	ssyncadd.s32 @!p0 s1  }
0x80: {  	[bflag:$0x3] =	sbarrier.arrive $0xFFFF  }
0x81: {  	_ =	shalt  }

</sc_bundles>
